<compile_context>
chip_gen: v7x
topology: tpu7x:2x2x1
jax: 0.10.2.dev20260603
libtpu: 0.0.44.dev20260713+nightly
codegen_flags: <defaults>
</compile_context>

<pallas_src>
import functools

import jax
import jax.numpy as jnp
from jax import lax
from jax.experimental import pallas as pl
from jax.experimental.pallas import tpu as pltpu
from jax.experimental.pallas import tpu_sc as plsc

N = 10000
E = 320000
C = 128
NC = 2
NS = 16
NW = NC * NS
EPW = E // NW
CHUNK = 128
EPWP = 10240
NCHUNK = EPWP // CHUNK
HALF = NCHUNK // 2
NP = 10240
GP = 10008

_MESH = dict(core_axis_name="c", subcore_axis_name="s", num_cores=NC,
             num_subcores=NS)
_SC_PARAMS = pltpu.CompilerParams(needs_layout_passes=False)


def _deg_body(dst_hbm, hist_hbm, dst_v, hist_v):
    c = lax.axis_index("c")
    s = lax.axis_index("s")
    w = c * NS + s

    zeros = jnp.zeros((16,), jnp.float32)

    def zero_body(i, _):
        hist_v[pl.ds(i * 16, 16)] = zeros
        return 0

    lax.fori_loop(0, N // 16, zero_body, 0)

    pltpu.sync_copy(dst_hbm.at[pl.ds(w * EPW, EPW)], dst_v)

    ones = jnp.ones((16,), jnp.float32)

    def body(i, _):
        idx = dst_v[pl.ds(i * 16, 16)]
        plsc.addupdate_scatter(hist_v, [idx], ones)
        return 0

    lax.fori_loop(0, EPW // 16, body, 0)
    pltpu.sync_copy(hist_v, hist_hbm.at[pl.ds(w * N, N)])


def _degree_hist(dst_flat):
    return pl.kernel(
        _deg_body,
        out_type=jax.ShapeDtypeStruct((NW * N,), jnp.float32),
        mesh=plsc.VectorSubcoreMesh(**_MESH),
        compiler_params=_SC_PARAMS,
        scratch_types=[
            pltpu.VMEM((EPW,), jnp.int32),
            pltpu.VMEM((N,), jnp.float32),
        ],
    )(dst_flat)


def _lin_body(x_ref, w_ref, hist_ref, g_ref):
    deg = 1.0 + jnp.sum(hist_ref[...], axis=1)
    dis = lax.rsqrt(deg)
    h = lax.dot_general(x_ref[...], w_ref[...], (((1,), (1,)), ((), ())),
                        preferred_element_type=jnp.float32)
    g_ref[...] = h * dis[:, None]


def _linear_scaled(x, W, hist_t):
    blk = 1000
    return pl.pallas_call(
        _lin_body,
        grid=(N // blk,),
        in_specs=[
            pl.BlockSpec((blk, C), lambda i: (i, 0)),
            pl.BlockSpec((C, C), lambda i: (0, 0)),
            pl.BlockSpec((blk, NW), lambda i: (i, 0)),
        ],
        out_specs=pl.BlockSpec((blk, C), lambda i: (i, 0)),
        out_shape=jax.ShapeDtypeStruct((N, C), jnp.float32),
    )(x, W, hist_t)


def _msg_body(src_hbm, dst_hbm, g_hbm, acc_hbm, src_v, dst_v, rows0, rows1,
              sem0, sem1, acc_sh):
    c = lax.axis_index("c")
    s = lax.axis_index("s")
    w = c * NS + s

    zeros = jnp.zeros((16,), jnp.float32)

    def zero_body(i, _):
        rows0[i // 8, pl.ds((i % 8) * 16, 16)] = zeros
        return 0

    lax.fori_loop(0, CHUNK * (C // 16), zero_body, 0)
    for r in range(NP // CHUNK // NS):
        q = s + r * NS
        pltpu.sync_copy(rows0, acc_sh.at[pl.ds(q * CHUNK, CHUNK)])
    plsc.subcore_barrier()

    for h in range(NCHUNK // HALF):
        pltpu.sync_copy(src_hbm.at[w, pl.ds(h * HALF, HALF)], src_v)
        pltpu.sync_copy(dst_hbm.at[w, pl.ds(h * HALF, HALF)], dst_v)
        pltpu.async_copy(g_hbm.at[src_v.at[0]], rows0, sem0)

        def body(j, _):
            k0 = j * 2
            k1 = k0 + 1
            pltpu.async_copy(g_hbm.at[src_v.at[k1]], rows1, sem1)
            pltpu.make_async_copy(g_hbm.at[src_v.at[k0]], rows0, sem0).wait()
            pltpu.sync_copy(rows0, acc_sh.at[dst_v.at[k0]], add=True)

            @pl.when(k0 + 2 < HALF)
            def _():
                pltpu.async_copy(g_hbm.at[src_v.at[k0 + 2]], rows0, sem0)

            pltpu.make_async_copy(g_hbm.at[src_v.at[k1]], rows1, sem1).wait()
            pltpu.sync_copy(rows1, acc_sh.at[dst_v.at[k1]], add=True)
            return 0

        lax.fori_loop(0, HALF // 2, body, 0)

    plsc.subcore_barrier()
    for r in range(NP // CHUNK // NS):
        q = s + r * NS
        pltpu.sync_copy(acc_sh.at[pl.ds(q * CHUNK, CHUNK)],
                        acc_hbm.at[pl.ds(c * NP + q * CHUNK, CHUNK)])


def _edge_accumulate(src3, dst3, g_pad):
    return pl.kernel(
        _msg_body,
        out_type=jax.ShapeDtypeStruct((NC * NP, C), jnp.float32),
        mesh=plsc.VectorSubcoreMesh(**_MESH),
        compiler_params=_SC_PARAMS,
        scratch_types=[
            pltpu.VMEM((HALF, CHUNK), jnp.int32),
            pltpu.VMEM((HALF, CHUNK), jnp.int32),
            pltpu.VMEM((CHUNK, C), jnp.float32),
            pltpu.VMEM((CHUNK, C), jnp.float32),
            pltpu.SemaphoreType.DMA,
            pltpu.SemaphoreType.DMA,
            pltpu.VMEM_SHARED((NP, C), jnp.float32),
        ],
    )(src3, dst3, g_pad)


def _fin_body(acc_ref, g_ref, hist_ref, b_ref, o_ref):
    deg = 1.0 + jnp.sum(hist_ref[...], axis=1)
    dis = lax.rsqrt(deg)
    t = acc_ref[0] + acc_ref[1] + g_ref[...]
    o_ref[...] = jnp.maximum(t * dis[:, None] + b_ref[...], 0.0)


def _finalize(acc, g, hist_t, b):
    blk = 1000
    return pl.pallas_call(
        _fin_body,
        grid=(N // blk,),
        in_specs=[
            pl.BlockSpec((NC, blk, C), lambda i: (0, i, 0)),
            pl.BlockSpec((blk, C), lambda i: (i, 0)),
            pl.BlockSpec((blk, NW), lambda i: (i, 0)),
            pl.BlockSpec((1, C), lambda i: (0, 0)),
        ],
        out_specs=pl.BlockSpec((blk, C), lambda i: (i, 0)),
        out_shape=jax.ShapeDtypeStruct((N, C), jnp.float32),
    )(acc, g, hist_t, b)


@jax.jit
def kernel(x, edge_index, W, b):
    src = edge_index[0]
    dst = edge_index[1]
    hist_t = _degree_hist(dst).reshape(NW, N).T
    g = _linear_scaled(x, W, hist_t)
    src_p = jnp.pad(src.reshape(NW, EPW), ((0, 0), (0, EPWP - EPW)),
                    constant_values=N)
    dst_p = jnp.pad(dst.reshape(NW, EPW), ((0, 0), (0, EPWP - EPW)),
                    constant_values=N)
    g_pad = jnp.concatenate([g, jnp.zeros((GP - N, C), jnp.float32)], axis=0)
    acc = _edge_accumulate(src_p.reshape(NW, NCHUNK, CHUNK),
                           dst_p.reshape(NW, NCHUNK, CHUNK), g_pad)
    acc = acc.reshape(NC, NP, C)[:, :N]
    return _finalize(acc, g, hist_t, b.reshape(1, C))

# --- scband reference (transcript-rebuilt; emitter-appended) ---
"""Pipeline reference for scband-gcnlayer-26096221290526 (READ-ONLY COPY).

The authoritative reference and input builder live on the scoring server;
editing this copy changes nothing except your own understanding.
"""

import jax, jax.numpy as jnp
import numpy as np

N_NODES = 10000
N_EDGES = 320000
C_IN = 128
C_OUT = 128


def setup_inputs(seed: int = 0) -> dict:
    key = jax.random.key(seed)
    k1, k2, k3 = jax.random.split(key, 3)
    x = jax.random.normal(k1, (N_NODES, C_IN), dtype=jnp.float32)
    edge_index = jax.random.randint(k2, (2, N_EDGES), 0, N_NODES, dtype=jnp.int32)
    # GCNConv linear weight (PyG convention: [out_channels, in_channels]) and bias
    W = jax.random.normal(k3, (C_OUT, C_IN), dtype=jnp.float32) * (1.0 / np.sqrt(C_IN))
    b = jnp.zeros((C_OUT,), dtype=jnp.float32)
    return {"x": x, "edge_index": edge_index, "W": W, "b": b}


def reference(x, edge_index, W, b):
    # GCNConv with default settings: add self-loops, symmetric normalization,
    # linear transform, scatter-add aggregation at dst, then bias.
    N = x.shape[0]
    src = edge_index[0]
    dst = edge_index[1]
    # add self loops with weight 1.0 (edge_weight=None -> ones)
    loop = jnp.arange(N, dtype=edge_index.dtype)
    src = jnp.concatenate([src, loop], axis=0)
    dst = jnp.concatenate([dst, loop], axis=0)
    ew = jnp.ones((src.shape[0],), dtype=x.dtype)
    # degree computed at dst (col) with edge weights
    deg = jnp.zeros((N,), dtype=x.dtype).at[dst].add(ew)
    deg_inv_sqrt = jnp.where(deg > 0, 1.0 / jnp.sqrt(jnp.where(deg > 0, deg, 1.0)), 0.0)
    norm = deg_inv_sqrt[src] * ew * deg_inv_sqrt[dst]
    # linear transform (no bias inside lin; bias added after aggregation)
    h = x @ W.T
    # message passing: gather at src, scale by norm, scatter-add at dst
    msg = h[src] * norm[:, None]
    out = jnp.zeros((N, W.shape[0]), dtype=x.dtype).at[dst].add(msg)
    out = out + b
    # ReLU then dropout (eval mode -> identity)
    out = jax.nn.relu(out)
    return out

if __name__ == "__main__":
    import jax
    _d = setup_inputs()
    print(jax.jit(kernel)(*tuple(_d.values())))

</pallas_src>

<mosaic_0001>
#map = affine_map<(d0, d1) -> (0)>
module attributes {stable_mosaic.version = 14 : i64} {
  func.func @_deg_body(%arg0: i32, %arg1: i32, %arg2: memref<320000xi32, #tpu.memory_space<hbm>>, %arg3: memref<320000xf32, #tpu.memory_space<hbm>>, %arg4: memref<10000xi32, #tpu.memory_space<vmem>>, %arg5: memref<10000xf32, #tpu.memory_space<vmem>>) attributes {dimension_semantics = [#tpu.dimension_semantics<core_parallel>, #tpu.dimension_semantics<subcore_parallel>], iteration_bounds = array<i64: 2, 16>, scalar_prefetch = 0 : i64, scratch_operands = 2 : i64, tpu.core_type = #tpu.core_type<sc_vector_subcore>, window_params = [{transform_indices = #map}, {transform_indices = #map}]} {
    %mul3A = arith.constant 16 : i32
    %mul3A_0 = arith.muli %arg0, %mul3A : i32
    %add3A = arith.addi %mul3A_0, %arg1 : i32
    %broadcast_in_dim3A = arith.constant 0.000000e+00 : f32
    %broadcast_in_dim3A_1 = vector.broadcast %broadcast_in_dim3A : f32 to vector<16xf32>
    %scan3A = arith.constant 0 : i32
    %scan3A_2 = arith.constant 0 : i32
    %scan3A_3 = arith.constant 625 : i32
    %scan3A_4 = arith.addi %scan3A_2, %scan3A_3 : i32
    %scan3A_5 = arith.constant 1 : i32
    %scan3A_6 = scf.for %scan3A_21 = %scan3A_2 to %scan3A_4 step %scan3A_5 iter_args(%scan3A_22 = %scan3A) -> (i32)  : i32 {
      %mul3A_23 = arith.constant 16 : i32
      %mul3A_24 = arith.muli %scan3A_21, %mul3A_23 : i32
      %swap3A = arith.index_cast %mul3A_24 : i32 to index
      %swap3A_25 = tpu.vector_load %arg5[%swap3A] {strides = array<i32>} : memref<10000xf32, #tpu.memory_space<vmem>>, vector<16xf32>,
      tpu.vector_store %arg5[%swap3A], %broadcast_in_dim3A_1 {strides = array<i32>} : memref<10000xf32, #tpu.memory_space<vmem>>, vector<16xf32>,
      %scan3A_26 = arith.constant 0 : i32
      scf.yield %scan3A_26 : i32
    }
    %scan3A_7 = arith.constant 625 : i32
    %mul3A_8 = arith.constant 10000 : i32
    %mul3A_9 = arith.muli %add3A, %mul3A_8 : i32
    "tpu.region"() ({
      %run_scoped3A = tpu.sem_alloc : memref<!tpu.dma_semaphore, #tpu.memory_space<semaphore_mem>>
      %dma_start3A = tpu.memref_slice %arg2[%mul3A_9] : memref<320000xi32, #tpu.memory_space<hbm>> -> memref<10000xi32, #tpu.memory_space<hbm>>
      %dma_start3A_21 = tpu.memref_slice %arg2[%mul3A_9] : memref<320000xi32, #tpu.memory_space<hbm>> -> memref<10000xi32, #tpu.memory_space<hbm>>
      tpu.enqueue_dma source(%dma_start3A_21 : memref<10000xi32, #tpu.memory_space<hbm>>) target(%arg4 : memref<10000xi32, #tpu.memory_space<vmem>>) target_semaphore(%run_scoped3A : memref<!tpu.dma_semaphore, #tpu.memory_space<semaphore_mem>>)
      %dma_wait3A = tpu.memref_slice %arg2[%mul3A_9] : memref<320000xi32, #tpu.memory_space<hbm>> -> memref<10000xi32, #tpu.memory_space<hbm>>
      %dma_wait3A_22 = tpu.memref_slice %arg2[%mul3A_9] : memref<320000xi32, #tpu.memory_space<hbm>> -> memref<10000xi32, #tpu.memory_space<hbm>>
      tpu.wait_dma2 semaphore(%run_scoped3A : memref<!tpu.dma_semaphore, #tpu.memory_space<semaphore_mem>>) src(%dma_wait3A_22 : memref<10000xi32, #tpu.memory_space<hbm>>) dst(%arg4 : memref<10000xi32, #tpu.memory_space<vmem>>)
      tpu.yield
    }) : () -> ()
    %broadcast_in_dim3A_10 = arith.constant 1.000000e+00 : f32
    %broadcast_in_dim3A_11 = vector.broadcast %broadcast_in_dim3A_10 : f32 to vector<16xf32>
    %scan3A_12 = arith.constant 0 : i32
    %scan3A_13 = arith.constant 0 : i32
    %scan3A_14 = arith.constant 625 : i32
    %scan3A_15 = arith.addi %scan3A_13, %scan3A_14 : i32
    %scan3A_16 = arith.constant 1 : i32
    %scan3A_17 = scf.for %scan3A_21 = %scan3A_13 to %scan3A_15 step %scan3A_16 iter_args(%scan3A_22 = %scan3A_12) -> (i32)  : i32 {
      %mul3A_23 = arith.constant 16 : i32
      %mul3A_24 = arith.muli %scan3A_21, %mul3A_23 : i32
      %get3A = arith.index_cast %mul3A_24 : i32 to index
      %get3A_25 = tpu.vector_load %arg4[%get3A] {strides = array<i32>} : memref<10000xi32, #tpu.memory_space<vmem>>, vector<16xi32>,
      tpu.vector_store_idx %arg5[%get3A_25], %broadcast_in_dim3A_11 {add = true} : memref<10000xf32, #tpu.memory_space<vmem>>[vector<16xi32>], vector<16xf32>,
      %scan3A_26 = arith.constant 0 : i32
      scf.yield %scan3A_26 : i32
    }
    %scan3A_18 = arith.constant 625 : i32
    %mul3A_19 = arith.constant 10000 : i32
    %mul3A_20 = arith.muli %add3A, %mul3A_19 : i32
    "tpu.region"() ({
      %run_scoped3A = tpu.sem_alloc : memref<!tpu.dma_semaphore, #tpu.memory_space<semaphore_mem>>
      %dma_start3A = tpu.memref_slice %arg3[%mul3A_20] : memref<320000xf32, #tpu.memory_space<hbm>> -> memref<10000xf32, #tpu.memory_space<hbm>>
      %dma_start3A_21 = tpu.memref_slice %arg3[%mul3A_20] : memref<320000xf32, #tpu.memory_space<hbm>> -> memref<10000xf32, #tpu.memory_space<hbm>>
      tpu.enqueue_dma source(%arg5 : memref<10000xf32, #tpu.memory_space<vmem>>) target(%dma_start3A_21 : memref<10000xf32, #tpu.memory_space<hbm>>) target_semaphore(%run_scoped3A : memref<!tpu.dma_semaphore, #tpu.memory_space<semaphore_mem>>)
      %dma_wait3A = tpu.memref_slice %arg3[%mul3A_20] : memref<320000xf32, #tpu.memory_space<hbm>> -> memref<10000xf32, #tpu.memory_space<hbm>>
      %dma_wait3A_22 = tpu.memref_slice %arg3[%mul3A_20] : memref<320000xf32, #tpu.memory_space<hbm>> -> memref<10000xf32, #tpu.memory_space<hbm>>
      tpu.wait_dma2 semaphore(%run_scoped3A : memref<!tpu.dma_semaphore, #tpu.memory_space<semaphore_mem>>) src(%arg5 : memref<10000xf32, #tpu.memory_space<vmem>>) dst(%dma_wait3A_22 : memref<10000xf32, #tpu.memory_space<hbm>>)
      tpu.yield
    }) : () -> ()
    return
  }
}

#map = affine_map<(d0, d1) -> (0, 0, 0)>
#map1 = affine_map<(d0, d1) -> (0, 0)>
module attributes {stable_mosaic.version = 14 : i64} {
  func.func @_msg_body(%arg0: i32, %arg1: i32, %arg2: memref<32x80x128xi32, #tpu.memory_space<hbm>>, %arg3: memref<32x80x128xi32, #tpu.memory_space<hbm>>, %arg4: memref<10008x128xf32, #tpu.memory_space<hbm>>, %arg5: memref<20480x128xf32, #tpu.memory_space<hbm>>, %arg6: memref<40x128xi32, #tpu.memory_space<vmem>>, %arg7: memref<40x128xi32, #tpu.memory_space<vmem>>, %arg8: memref<128x128xf32, #tpu.memory_space<vmem>>, %arg9: memref<128x128xf32, #tpu.memory_space<vmem>>, %arg10: memref<!tpu.dma_semaphore, #tpu.memory_space<semaphore_mem>>, %arg11: memref<!tpu.dma_semaphore, #tpu.memory_space<semaphore_mem>>, %arg12: memref<10240x128xf32, #tpu.memory_space<vmem_shared>>) attributes {dimension_semantics = [#tpu.dimension_semantics<core_parallel>, #tpu.dimension_semantics<subcore_parallel>], iteration_bounds = array<i64: 2, 16>, scalar_prefetch = 0 : i64, scratch_operands = 7 : i64, tpu.core_type = #tpu.core_type<sc_vector_subcore>, window_params = [{transform_indices = #map}, {transform_indices = #map}, {transform_indices = #map1}, {transform_indices = #map1}]} {
    %mul3A = arith.constant 16 : i32
    %mul3A_0 = arith.muli %arg0, %mul3A : i32
    %add3A = arith.addi %mul3A_0, %arg1 : i32
    %broadcast_in_dim3A = arith.constant 0.000000e+00 : f32
    %broadcast_in_dim3A_1 = vector.broadcast %broadcast_in_dim3A : f32 to vector<16xf32>
    %scan3A = arith.constant 0 : i32
    %scan3A_2 = arith.constant 0 : i32
    %scan3A_3 = arith.constant 1024 : i32
    %scan3A_4 = arith.addi %scan3A_2, %scan3A_3 : i32
    %scan3A_5 = arith.constant 1 : i32
    %scan3A_6 = scf.for %scan3A_101 = %scan3A_2 to %scan3A_4 step %scan3A_5 iter_args(%scan3A_102 = %scan3A) -> (i32)  : i32 {
      %jit3A = arith.constant 8 : i32
      %div3A = arith.divsi %scan3A_101, %jit3A : i32
      %sign3A = arith.constant 0 : i32
      %sign3A_103 = arith.cmpi sgt, %scan3A_101, %sign3A : i32
      %sign3A_104 = arith.extui %sign3A_103 : i1 to i32
      %sign3A_105 = arith.constant 0 : i32
      %sign3A_106 = arith.cmpi slt, %scan3A_101, %sign3A_105 : i32
      %sign3A_107 = arith.extui %sign3A_106 : i1 to i32
      %sign3A_108 = arith.subi %sign3A_104, %sign3A_107 : i32
      %sign3A_109 = arith.constant 0 : i32
      %sign3A_110 = arith.cmpi sgt, %jit3A, %sign3A_109 : i32
      %sign3A_111 = arith.extui %sign3A_110 : i1 to i32
      %sign3A_112 = arith.constant 0 : i32
      %sign3A_113 = arith.cmpi slt, %jit3A, %sign3A_112 : i32
      %sign3A_114 = arith.extui %sign3A_113 : i1 to i32
      %sign3A_115 = arith.subi %sign3A_111, %sign3A_114 : i32
      %ne3A = arith.cmpi ne, %sign3A_108, %sign3A_115 : i32
      %rem3A = arith.remsi %scan3A_101, %jit3A : i32
      %ne3A_116 = arith.constant 0 : i32
      %ne3A_117 = arith.cmpi ne, %rem3A, %ne3A_116 : i32
      %and3A = arith.andi %ne3A, %ne3A_117 : i1
      %sub3A = arith.constant 1 : i32
      %sub3A_118 = arith.subi %div3A, %sub3A : i32
      %select_n3A = arith.select %and3A, %sub3A_118, %div3A : i32
      %jit3A_119 = arith.constant 8 : i32
      %eq3A = arith.constant 0 : i32
      %eq3A_120 = arith.cmpi eq, %jit3A_119, %eq3A : i32
      %jit3A_121 = arith.constant 1 : i32
      %select_n3A_122 = arith.select %eq3A_120, %jit3A_121, %jit3A_119 : i32
      %rem3A_123 = arith.remsi %scan3A_101, %select_n3A_122 : i32
      %ne3A_124 = arith.constant 0 : i32
      %ne3A_125 = arith.cmpi ne, %rem3A_123, %ne3A_124 : i32
      %lt3A = arith.constant 0 : i32
      %lt3A_126 = arith.cmpi slt, %rem3A_123, %lt3A : i32
      %lt3A_127 = arith.constant 0 : i32
      %lt3A_128 = arith.cmpi slt, %select_n3A_122, %lt3A_127 : i32
      %ne3A_129 = arith.xori %lt3A_126, %lt3A_128 : i1
      %and3A_130 = arith.andi %ne3A_129, %ne3A_125 : i1
      %add3A_131 = arith.addi %rem3A_123, %select_n3A_122 : i32
      %select_n3A_132 = arith.select %and3A_130, %add3A_131, %rem3A_123 : i32
      %mul3A_133 = arith.constant 16 : i32
      %mul3A_134 = arith.muli %select_n3A_132, %mul3A_133 : i32
      %swap3A = arith.index_cast %select_n3A : i32 to index
      %swap3A_135 = arith.index_cast %mul3A_134 : i32 to index
      %swap3A_136 = tpu.vector_load %arg8[%swap3A, %swap3A_135] {strides = array<i32>} : memref<128x128xf32, #tpu.memory_space<vmem>>, vector<16xf32>,
      tpu.vector_store %arg8[%swap3A, %swap3A_135], %broadcast_in_dim3A_1 {strides = array<i32>} : memref<128x128xf32, #tpu.memory_space<vmem>>, vector<16xf32>,
      %scan3A_137 = arith.constant 0 : i32
      scf.yield %scan3A_137 : i32
    }
    %scan3A_7 = arith.constant 1024 : i32
    %add3A_8 = arith.constant 0 : i32
    %add3A_9 = arith.addi %arg1, %add3A_8 : i32
    %mul3A_10 = arith.constant 128 : i32
    %mul3A_11 = arith.muli %add3A_9, %mul3A_10 : i32
    "tpu.region"() ({
      %run_scoped3A = tpu.sem_alloc : memref<!tpu.dma_semaphore, #tpu.memory_space<semaphore_mem>>
      %dma_start3A_101 = arith.constant 0 : i32
      %dma_start3A_102 = tpu.memref_slice %arg12[%mul3A_11, %dma_start3A_101] : memref<10240x128xf32, #tpu.memory_space<vmem_shared>> -> memref<128x128xf32, #tpu.memory_space<vmem_shared>>
      %dma_start3A_103 = arith.constant 0 : i32
      %dma_start3A_104 = tpu.memref_slice %arg12[%mul3A_11, %dma_start3A_103] : memref<10240x128xf32, #tpu.memory_space<vmem_shared>> -> memref<128x128xf32, #tpu.memory_space<vmem_shared>>
      tpu.enqueue_dma source(%arg8 : memref<128x128xf32, #tpu.memory_space<vmem>>) target(%dma_start3A_104 : memref<128x128xf32, #tpu.memory_space<vmem_shared>>) target_semaphore(%run_scoped3A : memref<!tpu.dma_semaphore, #tpu.memory_space<semaphore_mem>>)
      %dma_wait3A = arith.constant 0 : i32
      %dma_wait3A_105 = tpu.memref_slice %arg12[%mul3A_11, %dma_wait3A] : memref<10240x128xf32, #tpu.memory_space<vmem_shared>> -> memref<128x128xf32, #tpu.memory_space<vmem_shared>>
      %dma_wait3A_106 = arith.constant 0 : i32
      %dma_wait3A_107 = tpu.memref_slice %arg12[%mul3A_11, %dma_wait3A_106] : memref<10240x128xf32, #tpu.memory_space<vmem_shared>> -> memref<128x128xf32, #tpu.memory_space<vmem_shared>>
      tpu.wait_dma2 semaphore(%run_scoped3A : memref<!tpu.dma_semaphore, #tpu.memory_space<semaphore_mem>>) src(%arg8 : memref<128x128xf32, #tpu.memory_space<vmem>>) dst(%dma_wait3A_107 : memref<128x128xf32, #tpu.memory_space<vmem_shared>>)
      tpu.yield
    }) : () -> ()
    %add3A_12 = arith.constant 16 : i32
    %add3A_13 = arith.addi %arg1, %add3A_12 : i32
    %mul3A_14 = arith.constant 128 : i32
    %mul3A_15 = arith.muli %add3A_13, %mul3A_14 : i32
    "tpu.region"() ({
      %run_scoped3A = tpu.sem_alloc : memref<!tpu.dma_semaphore, #tpu.memory_space<semaphore_mem>>
      %dma_start3A_101 = arith.constant 0 : i32
      %dma_start3A_102 = tpu.memref_slice %arg12[%mul3A_15, %dma_start3A_101] : memref<10240x128xf32, #tpu.memory_space<vmem_shared>> -> memref<128x128xf32, #tpu.memory_space<vmem_shared>>
      %dma_start3A_103 = arith.constant 0 : i32
      %dma_start3A_104 = tpu.memref_slice %arg12[%mul3A_15, %dma_start3A_103] : memref<10240x128xf32, #tpu.memory_space<vmem_shared>> -> memref<128x128xf32, #tpu.memory_space<vmem_shared>>
      tpu.enqueue_dma source(%arg8 : memref<128x128xf32, #tpu.memory_space<vmem>>) target(%dma_start3A_104 : memref<128x128xf32, #tpu.memory_space<vmem_shared>>) target_semaphore(%run_scoped3A : memref<!tpu.dma_semaphore, #tpu.memory_space<semaphore_mem>>)
      %dma_wait3A = arith.constant 0 : i32
      %dma_wait3A_105 = tpu.memref_slice %arg12[%mul3A_15, %dma_wait3A] : memref<10240x128xf32, #tpu.memory_space<vmem_shared>> -> memref<128x128xf32, #tpu.memory_space<vmem_shared>>
      %dma_wait3A_106 = arith.constant 0 : i32
      %dma_wait3A_107 = tpu.memref_slice %arg12[%mul3A_15, %dma_wait3A_106] : memref<10240x128xf32, #tpu.memory_space<vmem_shared>> -> memref<128x128xf32, #tpu.memory_space<vmem_shared>>
      tpu.wait_dma2 semaphore(%run_scoped3A : memref<!tpu.dma_semaphore, #tpu.memory_space<semaphore_mem>>) src(%arg8 : memref<128x128xf32, #tpu.memory_space<vmem>>) dst(%dma_wait3A_107 : memref<128x128xf32, #tpu.memory_space<vmem_shared>>)
      tpu.yield
    }) : () -> ()
    %add3A_16 = arith.constant 32 : i32
    %add3A_17 = arith.addi %arg1, %add3A_16 : i32
    %mul3A_18 = arith.constant 128 : i32
    %mul3A_19 = arith.muli %add3A_17, %mul3A_18 : i32
    "tpu.region"() ({
      %run_scoped3A = tpu.sem_alloc : memref<!tpu.dma_semaphore, #tpu.memory_space<semaphore_mem>>
      %dma_start3A_101 = arith.constant 0 : i32
      %dma_start3A_102 = tpu.memref_slice %arg12[%mul3A_19, %dma_start3A_101] : memref<10240x128xf32, #tpu.memory_space<vmem_shared>> -> memref<128x128xf32, #tpu.memory_space<vmem_shared>>
      %dma_start3A_103 = arith.constant 0 : i32
      %dma_start3A_104 = tpu.memref_slice %arg12[%mul3A_19, %dma_start3A_103] : memref<10240x128xf32, #tpu.memory_space<vmem_shared>> -> memref<128x128xf32, #tpu.memory_space<vmem_shared>>
      tpu.enqueue_dma source(%arg8 : memref<128x128xf32, #tpu.memory_space<vmem>>) target(%dma_start3A_104 : memref<128x128xf32, #tpu.memory_space<vmem_shared>>) target_semaphore(%run_scoped3A : memref<!tpu.dma_semaphore, #tpu.memory_space<semaphore_mem>>)
      %dma_wait3A = arith.constant 0 : i32
      %dma_wait3A_105 = tpu.memref_slice %arg12[%mul3A_19, %dma_wait3A] : memref<10240x128xf32, #tpu.memory_space<vmem_shared>> -> memref<128x128xf32, #tpu.memory_space<vmem_shared>>
      %dma_wait3A_106 = arith.constant 0 : i32
      %dma_wait3A_107 = tpu.memref_slice %arg12[%mul3A_19, %dma_wait3A_106] : memref<10240x128xf32, #tpu.memory_space<vmem_shared>> -> memref<128x128xf32, #tpu.memory_space<vmem_shared>>
      tpu.wait_dma2 semaphore(%run_scoped3A : memref<!tpu.dma_semaphore, #tpu.memory_space<semaphore_mem>>) src(%arg8 : memref<128x128xf32, #tpu.memory_space<vmem>>) dst(%dma_wait3A_107 : memref<128x128xf32, #tpu.memory_space<vmem_shared>>)
      tpu.yield
    }) : () -> ()
    %add3A_20 = arith.constant 48 : i32
    %add3A_21 = arith.addi %arg1, %add3A_20 : i32
    %mul3A_22 = arith.constant 128 : i32
    %mul3A_23 = arith.muli %add3A_21, %mul3A_22 : i32
    "tpu.region"() ({
      %run_scoped3A = tpu.sem_alloc : memref<!tpu.dma_semaphore, #tpu.memory_space<semaphore_mem>>
      %dma_start3A_101 = arith.constant 0 : i32
      %dma_start3A_102 = tpu.memref_slice %arg12[%mul3A_23, %dma_start3A_101] : memref<10240x128xf32, #tpu.memory_space<vmem_shared>> -> memref<128x128xf32, #tpu.memory_space<vmem_shared>>
      %dma_start3A_103 = arith.constant 0 : i32
      %dma_start3A_104 = tpu.memref_slice %arg12[%mul3A_23, %dma_start3A_103] : memref<10240x128xf32, #tpu.memory_space<vmem_shared>> -> memref<128x128xf32, #tpu.memory_space<vmem_shared>>
      tpu.enqueue_dma source(%arg8 : memref<128x128xf32, #tpu.memory_space<vmem>>) target(%dma_start3A_104 : memref<128x128xf32, #tpu.memory_space<vmem_shared>>) target_semaphore(%run_scoped3A : memref<!tpu.dma_semaphore, #tpu.memory_space<semaphore_mem>>)
      %dma_wait3A = arith.constant 0 : i32
      %dma_wait3A_105 = tpu.memref_slice %arg12[%mul3A_23, %dma_wait3A] : memref<10240x128xf32, #tpu.memory_space<vmem_shared>> -> memref<128x128xf32, #tpu.memory_space<vmem_shared>>
      %dma_wait3A_106 = arith.constant 0 : i32
      %dma_wait3A_107 = tpu.memref_slice %arg12[%mul3A_23, %dma_wait3A_106] : memref<10240x128xf32, #tpu.memory_space<vmem_shared>> -> memref<128x128xf32, #tpu.memory_space<vmem_shared>>
      tpu.wait_dma2 semaphore(%run_scoped3A : memref<!tpu.dma_semaphore, #tpu.memory_space<semaphore_mem>>) src(%arg8 : memref<128x128xf32, #tpu.memory_space<vmem>>) dst(%dma_wait3A_107 : memref<128x128xf32, #tpu.memory_space<vmem_shared>>)
      tpu.yield
    }) : () -> ()
    %add3A_24 = arith.constant 64 : i32
    %add3A_25 = arith.addi %arg1, %add3A_24 : i32
    %mul3A_26 = arith.constant 128 : i32
    %mul3A_27 = arith.muli %add3A_25, %mul3A_26 : i32
    "tpu.region"() ({
      %run_scoped3A = tpu.sem_alloc : memref<!tpu.dma_semaphore, #tpu.memory_space<semaphore_mem>>
      %dma_start3A_101 = arith.constant 0 : i32
      %dma_start3A_102 = tpu.memref_slice %arg12[%mul3A_27, %dma_start3A_101] : memref<10240x128xf32, #tpu.memory_space<vmem_shared>> -> memref<128x128xf32, #tpu.memory_space<vmem_shared>>
      %dma_start3A_103 = arith.constant 0 : i32
      %dma_start3A_104 = tpu.memref_slice %arg12[%mul3A_27, %dma_start3A_103] : memref<10240x128xf32, #tpu.memory_space<vmem_shared>> -> memref<128x128xf32, #tpu.memory_space<vmem_shared>>
      tpu.enqueue_dma source(%arg8 : memref<128x128xf32, #tpu.memory_space<vmem>>) target(%dma_start3A_104 : memref<128x128xf32, #tpu.memory_space<vmem_shared>>) target_semaphore(%run_scoped3A : memref<!tpu.dma_semaphore, #tpu.memory_space<semaphore_mem>>)
      %dma_wait3A = arith.constant 0 : i32
      %dma_wait3A_105 = tpu.memref_slice %arg12[%mul3A_27, %dma_wait3A] : memref<10240x128xf32, #tpu.memory_space<vmem_shared>> -> memref<128x128xf32, #tpu.memory_space<vmem_shared>>
      %dma_wait3A_106 = arith.constant 0 : i32
      %dma_wait3A_107 = tpu.memref_slice %arg12[%mul3A_27, %dma_wait3A_106] : memref<10240x128xf32, #tpu.memory_space<vmem_shared>> -> memref<128x128xf32, #tpu.memory_space<vmem_shared>>
      tpu.wait_dma2 semaphore(%run_scoped3A : memref<!tpu.dma_semaphore, #tpu.memory_space<semaphore_mem>>) src(%arg8 : memref<128x128xf32, #tpu.memory_space<vmem>>) dst(%dma_wait3A_107 : memref<128x128xf32, #tpu.memory_space<vmem_shared>>)
      tpu.yield
    }) : () -> ()
    %barrier3A = arith.constant 0 : index
    tpu.barrier barrier_id(%barrier3A)
    "tpu.region"() ({
      %run_scoped3A = tpu.sem_alloc : memref<!tpu.dma_semaphore, #tpu.memory_space<semaphore_mem>>
      %dma_start3A_101 = arith.constant 0 : i32
      %dma_start3A_102 = arith.constant 0 : i32
      %dma_start3A_103 = tpu.memref_slice %arg2[%add3A, %dma_start3A_101, %dma_start3A_102] : memref<32x80x128xi32, #tpu.memory_space<hbm>> -> memref<1x40x128xi32, #tpu.memory_space<hbm>>
      %dma_start3A_104 = tpu.memref_squeeze %dma_start3A_103 : memref<1x40x128xi32, #tpu.memory_space<hbm>> -> memref<40x128xi32, #tpu.memory_space<hbm>>
      %dma_start3A_105 = arith.constant 0 : i32
      %dma_start3A_106 = arith.constant 0 : i32
      %dma_start3A_107 = tpu.memref_slice %arg2[%add3A, %dma_start3A_105, %dma_start3A_106] : memref<32x80x128xi32, #tpu.memory_space<hbm>> -> memref<1x40x128xi32, #tpu.memory_space<hbm>>
      %dma_start3A_108 = tpu.memref_squeeze %dma_start3A_107 : memref<1x40x128xi32, #tpu.memory_space<hbm>> -> memref<40x128xi32, #tpu.memory_space<hbm>>
      tpu.enqueue_dma source(%dma_start3A_108 : memref<40x128xi32, #tpu.memory_space<hbm>>) target(%arg6 : memref<40x128xi32, #tpu.memory_space<vmem>>) target_semaphore(%run_scoped3A : memref<!tpu.dma_semaphore, #tpu.memory_space<semaphore_mem>>)
      %dma_wait3A = arith.constant 0 : i32
      %dma_wait3A_109 = arith.constant 0 : i32
      %dma_wait3A_110 = tpu.memref_slice %arg2[%add3A, %dma_wait3A, %dma_wait3A_109] : memref<32x80x128xi32, #tpu.memory_space<hbm>> -> memref<1x40x128xi32, #tpu.memory_space<hbm>>
      %dma_wait3A_111 = tpu.memref_squeeze %dma_wait3A_110 : memref<1x40x128xi32, #tpu.memory_space<hbm>> -> memref<40x128xi32, #tpu.memory_space<hbm>>
      %dma_wait3A_112 = arith.constant 0 : i32
      %dma_wait3A_113 = arith.constant 0 : i32
      %dma_wait3A_114 = tpu.memref_slice %arg2[%add3A, %dma_wait3A_112, %dma_wait3A_113] : memref<32x80x128xi32, #tpu.memory_space<hbm>> -> memref<1x40x128xi32, #tpu.memory_space<hbm>>
      %dma_wait3A_115 = tpu.memref_squeeze %dma_wait3A_114 : memref<1x40x128xi32, #tpu.memory_space<hbm>> -> memref<40x128xi32, #tpu.memory_space<hbm>>
      tpu.wait_dma2 semaphore(%run_scoped3A : memref<!tpu.dma_semaphore, #tpu.memory_space<semaphore_mem>>) src(%dma_wait3A_115 : memref<40x128xi32, #tpu.memory_space<hbm>>) dst(%arg6 : memref<40x128xi32, #tpu.memory_space<vmem>>)
      tpu.yield
    }) : () -> ()
    "tpu.region"() ({
      %run_scoped3A = tpu.sem_alloc : memref<!tpu.dma_semaphore, #tpu.memory_space<semaphore_mem>>
      %dma_start3A_101 = arith.constant 0 : i32
      %dma_start3A_102 = arith.constant 0 : i32
      %dma_start3A_103 = tpu.memref_slice %arg3[%add3A, %dma_start3A_101, %dma_start3A_102] : memref<32x80x128xi32, #tpu.memory_space<hbm>> -> memref<1x40x128xi32, #tpu.memory_space<hbm>>
      %dma_start3A_104 = tpu.memref_squeeze %dma_start3A_103 : memref<1x40x128xi32, #tpu.memory_space<hbm>> -> memref<40x128xi32, #tpu.memory_space<hbm>>
      %dma_start3A_105 = arith.constant 0 : i32
      %dma_start3A_106 = arith.constant 0 : i32
      %dma_start3A_107 = tpu.memref_slice %arg3[%add3A, %dma_start3A_105, %dma_start3A_106] : memref<32x80x128xi32, #tpu.memory_space<hbm>> -> memref<1x40x128xi32, #tpu.memory_space<hbm>>
      %dma_start3A_108 = tpu.memref_squeeze %dma_start3A_107 : memref<1x40x128xi32, #tpu.memory_space<hbm>> -> memref<40x128xi32, #tpu.memory_space<hbm>>
      tpu.enqueue_dma source(%dma_start3A_108 : memref<40x128xi32, #tpu.memory_space<hbm>>) target(%arg7 : memref<40x128xi32, #tpu.memory_space<vmem>>) target_semaphore(%run_scoped3A : memref<!tpu.dma_semaphore, #tpu.memory_space<semaphore_mem>>)
      %dma_wait3A = arith.constant 0 : i32
      %dma_wait3A_109 = arith.constant 0 : i32
      %dma_wait3A_110 = tpu.memref_slice %arg3[%add3A, %dma_wait3A, %dma_wait3A_109] : memref<32x80x128xi32, #tpu.memory_space<hbm>> -> memref<1x40x128xi32, #tpu.memory_space<hbm>>
      %dma_wait3A_111 = tpu.memref_squeeze %dma_wait3A_110 : memref<1x40x128xi32, #tpu.memory_space<hbm>> -> memref<40x128xi32, #tpu.memory_space<hbm>>
      %dma_wait3A_112 = arith.constant 0 : i32
      %dma_wait3A_113 = arith.constant 0 : i32
      %dma_wait3A_114 = tpu.memref_slice %arg3[%add3A, %dma_wait3A_112, %dma_wait3A_113] : memref<32x80x128xi32, #tpu.memory_space<hbm>> -> memref<1x40x128xi32, #tpu.memory_space<hbm>>
      %dma_wait3A_115 = tpu.memref_squeeze %dma_wait3A_114 : memref<1x40x128xi32, #tpu.memory_space<hbm>> -> memref<40x128xi32, #tpu.memory_space<hbm>>
      tpu.wait_dma2 semaphore(%run_scoped3A : memref<!tpu.dma_semaphore, #tpu.memory_space<semaphore_mem>>) src(%dma_wait3A_115 : memref<40x128xi32, #tpu.memory_space<hbm>>) dst(%arg7 : memref<40x128xi32, #tpu.memory_space<vmem>>)
      tpu.yield
    }) : () -> ()
    %dma_start3A = arith.constant 0 : i32
    %dma_start3A_28 = arith.constant 0 : i32
    %dma_start3A_29 = tpu.memref_slice %arg6[%dma_start3A, %dma_start3A_28] : memref<40x128xi32, #tpu.memory_space<vmem>> -> memref<1x128xi32, #tpu.memory_space<vmem>>
    %dma_start3A_30 = tpu.memref_squeeze %dma_start3A_29 : memref<1x128xi32, #tpu.memory_space<vmem>> -> memref<128xi32, #tpu.memory_space<vmem>>
    %dma_start3A_31 = arith.constant 0 : i32
    %dma_start3A_32 = arith.constant 0 : i32
    %dma_start3A_33 = tpu.memref_slice %arg4[%dma_start3A_31, %dma_start3A_32] : memref<10008x128xf32, #tpu.memory_space<hbm>> -> memref<10008x128xf32, #tpu.memory_space<hbm>>
    tpu.enqueue_indirect_dma source(%dma_start3A_33 : memref<10008x128xf32, #tpu.memory_space<hbm>>) target(%arg8 : memref<128x128xf32, #tpu.memory_space<vmem>>) offsets(%dma_start3A_30 : memref<128xi32, #tpu.memory_space<vmem>>) semaphore(%arg10 : memref<!tpu.dma_semaphore, #tpu.memory_space<semaphore_mem>>)
    %scan3A_34 = arith.constant 0 : i32
    %scan3A_35 = arith.constant 0 : i32
    %scan3A_36 = arith.constant 20 : i32
    %scan3A_37 = arith.addi %scan3A_35, %scan3A_36 : i32
    %scan3A_38 = arith.constant 1 : i32
    %scan3A_39 = scf.for %scan3A_101 = %scan3A_35 to %scan3A_37 step %scan3A_38 iter_args(%scan3A_102 = %scan3A_34) -> (i32)  : i32 {
      %mul3A_103 = arith.constant 2 : i32
      %mul3A_104 = arith.muli %scan3A_101, %mul3A_103 : i32
      %add3A_105 = arith.constant 1 : i32
      %add3A_106 = arith.addi %mul3A_104, %add3A_105 : i32
      %dma_start3A_107 = arith.constant 0 : i32
      %dma_start3A_108 = tpu.memref_slice %arg6[%add3A_106, %dma_start3A_107] : memref<40x128xi32, #tpu.memory_space<vmem>> -> memref<1x128xi32, #tpu.memory_space<vmem>>
      %dma_start3A_109 = tpu.memref_squeeze %dma_start3A_108 : memref<1x128xi32, #tpu.memory_space<vmem>> -> memref<128xi32, #tpu.memory_space<vmem>>
      %dma_start3A_110 = arith.constant 0 : i32
      %dma_start3A_111 = arith.constant 0 : i32
      %dma_start3A_112 = tpu.memref_slice %arg4[%dma_start3A_110, %dma_start3A_111] : memref<10008x128xf32, #tpu.memory_space<hbm>> -> memref<10008x128xf32, #tpu.memory_space<hbm>>
      tpu.enqueue_indirect_dma source(%dma_start3A_112 : memref<10008x128xf32, #tpu.memory_space<hbm>>) target(%arg9 : memref<128x128xf32, #tpu.memory_space<vmem>>) offsets(%dma_start3A_109 : memref<128xi32, #tpu.memory_space<vmem>>) semaphore(%arg11 : memref<!tpu.dma_semaphore, #tpu.memory_space<semaphore_mem>>)
      %dma_wait3A = arith.constant 0 : i32
      %dma_wait3A_113 = tpu.memref_slice %arg6[%mul3A_104, %dma_wait3A] : memref<40x128xi32, #tpu.memory_space<vmem>> -> memref<1x128xi32, #tpu.memory_space<vmem>>
      %dma_wait3A_114 = tpu.memref_squeeze %dma_wait3A_113 : memref<1x128xi32, #tpu.memory_space<vmem>> -> memref<128xi32, #tpu.memory_space<vmem>>
      %dma_wait3A_115 = arith.constant 0 : i32
      %dma_wait3A_116 = arith.constant 0 : i32
      %dma_wait3A_117 = tpu.memref_slice %arg4[%dma_wait3A_115, %dma_wait3A_116] : memref<10008x128xf32, #tpu.memory_space<hbm>> -> memref<10008x128xf32, #tpu.memory_space<hbm>>
      tpu.wait_indirect_dma semaphore(%arg10 : memref<!tpu.dma_semaphore, #tpu.memory_space<semaphore_mem>>) src(%dma_wait3A_117 : memref<10008x128xf32, #tpu.memory_space<hbm>>) dst(%arg8 : memref<128x128xf32, #tpu.memory_space<vmem>>)
      "tpu.region"() ({
        %run_scoped3A = tpu.sem_alloc : memref<!tpu.dma_semaphore, #tpu.memory_space<semaphore_mem>>
        %dma_start3A_129 = arith.constant 0 : i32
        %dma_start3A_130 = tpu.memref_slice %arg7[%mul3A_104, %dma_start3A_129] : memref<40x128xi32, #tpu.memory_space<vmem>> -> memref<1x128xi32, #tpu.memory_space<vmem>>
        %dma_start3A_131 = tpu.memref_squeeze %dma_start3A_130 : memref<1x128xi32, #tpu.memory_space<vmem>> -> memref<128xi32, #tpu.memory_space<vmem>>
        %dma_start3A_132 = arith.constant 0 : i32
        %dma_start3A_133 = arith.constant 0 : i32
        %dma_start3A_134 = tpu.memref_slice %arg12[%dma_start3A_132, %dma_start3A_133] : memref<10240x128xf32, #tpu.memory_space<vmem_shared>> -> memref<10240x128xf32, #tpu.memory_space<vmem_shared>>
        tpu.enqueue_indirect_dma source(%arg8 : memref<128x128xf32, #tpu.memory_space<vmem>>) target(%dma_start3A_134 : memref<10240x128xf32, #tpu.memory_space<vmem_shared>>) offsets(%dma_start3A_131 : memref<128xi32, #tpu.memory_space<vmem>>) semaphore(%run_scoped3A : memref<!tpu.dma_semaphore, #tpu.memory_space<semaphore_mem>>) {add = true}
        %dma_wait3A_135 = arith.constant 0 : i32
        %dma_wait3A_136 = tpu.memref_slice %arg7[%mul3A_104, %dma_wait3A_135] : memref<40x128xi32, #tpu.memory_space<vmem>> -> memref<1x128xi32, #tpu.memory_space<vmem>>
        %dma_wait3A_137 = tpu.memref_squeeze %dma_wait3A_136 : memref<1x128xi32, #tpu.memory_space<vmem>> -> memref<128xi32, #tpu.memory_space<vmem>>
        %dma_wait3A_138 = arith.constant 0 : i32
        %dma_wait3A_139 = arith.constant 0 : i32
        %dma_wait3A_140 = tpu.memref_slice %arg12[%dma_wait3A_138, %dma_wait3A_139] : memref<10240x128xf32, #tpu.memory_space<vmem_shared>> -> memref<10240x128xf32, #tpu.memory_space<vmem_shared>>
        tpu.wait_indirect_dma semaphore(%run_scoped3A : memref<!tpu.dma_semaphore, #tpu.memory_space<semaphore_mem>>) src(%arg8 : memref<128x128xf32, #tpu.memory_space<vmem>>) dst(%dma_wait3A_140 : memref<10240x128xf32, #tpu.memory_space<vmem_shared>>)
        tpu.yield
      }) : () -> ()
      %add3A_118 = arith.constant 2 : i32
      %add3A_119 = arith.addi %mul3A_104, %add3A_118 : i32
      %lt3A = arith.constant 40 : i32
      %lt3A_120 = arith.cmpi slt, %add3A_119, %lt3A : i32
      %convert_element_type3A = arith.extui %lt3A_120 : i1 to i32
      %cond3A = arith.constant 0 : i32
      %cond3A_121 = arith.cmpi ne, %convert_element_type3A, %cond3A : i32
      scf.if %cond3A_121 {
        %add3A_129 = arith.constant 2 : i32
        %add3A_130 = arith.addi %mul3A_104, %add3A_129 : i32
        %dma_start3A_131 = arith.constant 0 : i32
        %dma_start3A_132 = tpu.memref_slice %arg6[%add3A_130, %dma_start3A_131] : memref<40x128xi32, #tpu.memory_space<vmem>> -> memref<1x128xi32, #tpu.memory_space<vmem>>
        %dma_start3A_133 = tpu.memref_squeeze %dma_start3A_132 : memref<1x128xi32, #tpu.memory_space<vmem>> -> memref<128xi32, #tpu.memory_space<vmem>>
        %dma_start3A_134 = arith.constant 0 : i32
        %dma_start3A_135 = arith.constant 0 : i32
        %dma_start3A_136 = tpu.memref_slice %arg4[%dma_start3A_134, %dma_start3A_135] : memref<10008x128xf32, #tpu.memory_space<hbm>> -> memref<10008x128xf32, #tpu.memory_space<hbm>>
        tpu.enqueue_indirect_dma source(%dma_start3A_136 : memref<10008x128xf32, #tpu.memory_space<hbm>>) target(%arg8 : memref<128x128xf32, #tpu.memory_space<vmem>>) offsets(%dma_start3A_133 : memref<128xi32, #tpu.memory_space<vmem>>) semaphore(%arg10 : memref<!tpu.dma_semaphore, #tpu.memory_space<semaphore_mem>>)
      } else {
      }
      %dma_wait3A_122 = arith.constant 0 : i32
      %dma_wait3A_123 = tpu.memref_slice %arg6[%add3A_106, %dma_wait3A_122] : memref<40x128xi32, #tpu.memory_space<vmem>> -> memref<1x128xi32, #tpu.memory_space<vmem>>
      %dma_wait3A_124 = tpu.memref_squeeze %dma_wait3A_123 : memref<1x128xi32, #tpu.memory_space<vmem>> -> memref<128xi32, #tpu.memory_space<vmem>>
      %dma_wait3A_125 = arith.constant 0 : i32
      %dma_wait3A_126 = arith.constant 0 : i32
      %dma_wait3A_127 = tpu.memref_slice %arg4[%dma_wait3A_125, %dma_wait3A_126] : memref<10008x128xf32, #tpu.memory_space<hbm>> -> memref<10008x128xf32, #tpu.memory_space<hbm>>
      tpu.wait_indirect_dma semaphore(%arg11 : memref<!tpu.dma_semaphore, #tpu.memory_space<semaphore_mem>>) src(%dma_wait3A_127 : memref<10008x128xf32, #tpu.memory_space<hbm>>) dst(%arg9 : memref<128x128xf32, #tpu.memory_space<vmem>>)
      "tpu.region"() ({
        %run_scoped3A = tpu.sem_alloc : memref<!tpu.dma_semaphore, #tpu.memory_space<semaphore_mem>>
        %dma_start3A_129 = arith.constant 0 : i32
        %dma_start3A_130 = tpu.memref_slice %arg7[%add3A_106, %dma_start3A_129] : memref<40x128xi32, #tpu.memory_space<vmem>> -> memref<1x128xi32, #tpu.memory_space<vmem>>
        %dma_start3A_131 = tpu.memref_squeeze %dma_start3A_130 : memref<1x128xi32, #tpu.memory_space<vmem>> -> memref<128xi32, #tpu.memory_space<vmem>>
        %dma_start3A_132 = arith.constant 0 : i32
        %dma_start3A_133 = arith.constant 0 : i32
        %dma_start3A_134 = tpu.memref_slice %arg12[%dma_start3A_132, %dma_start3A_133] : memref<10240x128xf32, #tpu.memory_space<vmem_shared>> -> memref<10240x128xf32, #tpu.memory_space<vmem_shared>>
        tpu.enqueue_indirect_dma source(%arg9 : memref<128x128xf32, #tpu.memory_space<vmem>>) target(%dma_start3A_134 : memref<10240x128xf32, #tpu.memory_space<vmem_shared>>) offsets(%dma_start3A_131 : memref<128xi32, #tpu.memory_space<vmem>>) semaphore(%run_scoped3A : memref<!tpu.dma_semaphore, #tpu.memory_space<semaphore_mem>>) {add = true}
        %dma_wait3A_135 = arith.constant 0 : i32
        %dma_wait3A_136 = tpu.memref_slice %arg7[%add3A_106, %dma_wait3A_135] : memref<40x128xi32, #tpu.memory_space<vmem>> -> memref<1x128xi32, #tpu.memory_space<vmem>>
        %dma_wait3A_137 = tpu.memref_squeeze %dma_wait3A_136 : memref<1x128xi32, #tpu.memory_space<vmem>> -> memref<128xi32, #tpu.memory_space<vmem>>
        %dma_wait3A_138 = arith.constant 0 : i32
        %dma_wait3A_139 = arith.constant 0 : i32
        %dma_wait3A_140 = tpu.memref_slice %arg12[%dma_wait3A_138, %dma_wait3A_139] : memref<10240x128xf32, #tpu.memory_space<vmem_shared>> -> memref<10240x128xf32, #tpu.memory_space<vmem_shared>>
        tpu.wait_indirect_dma semaphore(%run_scoped3A : memref<!tpu.dma_semaphore, #tpu.memory_space<semaphore_mem>>) src(%arg9 : memref<128x128xf32, #tpu.memory_space<vmem>>) dst(%dma_wait3A_140 : memref<10240x128xf32, #tpu.memory_space<vmem_shared>>)
        tpu.yield
      }) : () -> ()
      %scan3A_128 = arith.constant 0 : i32
      scf.yield %scan3A_128 : i32
    }
    %scan3A_40 = arith.constant 20 : i32
    "tpu.region"() ({
      %run_scoped3A = tpu.sem_alloc : memref<!tpu.dma_semaphore, #tpu.memory_space<semaphore_mem>>
      %dma_start3A_101 = arith.constant 40 : i32
      %dma_start3A_102 = arith.constant 0 : i32
      %dma_start3A_103 = tpu.memref_slice %arg2[%add3A, %dma_start3A_101, %dma_start3A_102] : memref<32x80x128xi32, #tpu.memory_space<hbm>> -> memref<1x40x128xi32, #tpu.memory_space<hbm>>
      %dma_start3A_104 = tpu.memref_squeeze %dma_start3A_103 : memref<1x40x128xi32, #tpu.memory_space<hbm>> -> memref<40x128xi32, #tpu.memory_space<hbm>>
      %dma_start3A_105 = arith.constant 40 : i32
      %dma_start3A_106 = arith.constant 0 : i32
      %dma_start3A_107 = tpu.memref_slice %arg2[%add3A, %dma_start3A_105, %dma_start3A_106] : memref<32x80x128xi32, #tpu.memory_space<hbm>> -> memref<1x40x128xi32, #tpu.memory_space<hbm>>
      %dma_start3A_108 = tpu.memref_squeeze %dma_start3A_107 : memref<1x40x128xi32, #tpu.memory_space<hbm>> -> memref<40x128xi32, #tpu.memory_space<hbm>>
      tpu.enqueue_dma source(%dma_start3A_108 : memref<40x128xi32, #tpu.memory_space<hbm>>) target(%arg6 : memref<40x128xi32, #tpu.memory_space<vmem>>) target_semaphore(%run_scoped3A : memref<!tpu.dma_semaphore, #tpu.memory_space<semaphore_mem>>)
      %dma_wait3A = arith.constant 40 : i32
      %dma_wait3A_109 = arith.constant 0 : i32
      %dma_wait3A_110 = tpu.memref_slice %arg2[%add3A, %dma_wait3A, %dma_wait3A_109] : memref<32x80x128xi32, #tpu.memory_space<hbm>> -> memref<1x40x128xi32, #tpu.memory_space<hbm>>
      %dma_wait3A_111 = tpu.memref_squeeze %dma_wait3A_110 : memref<1x40x128xi32, #tpu.memory_space<hbm>> -> memref<40x128xi32, #tpu.memory_space<hbm>>
      %dma_wait3A_112 = arith.constant 40 : i32
      %dma_wait3A_113 = arith.constant 0 : i32
      %dma_wait3A_114 = tpu.memref_slice %arg2[%add3A, %dma_wait3A_112, %dma_wait3A_113] : memref<32x80x128xi32, #tpu.memory_space<hbm>> -> memref<1x40x128xi32, #tpu.memory_space<hbm>>
      %dma_wait3A_115 = tpu.memref_squeeze %dma_wait3A_114 : memref<1x40x128xi32, #tpu.memory_space<hbm>> -> memref<40x128xi32, #tpu.memory_space<hbm>>
      tpu.wait_dma2 semaphore(%run_scoped3A : memref<!tpu.dma_semaphore, #tpu.memory_space<semaphore_mem>>) src(%dma_wait3A_115 : memref<40x128xi32, #tpu.memory_space<hbm>>) dst(%arg6 : memref<40x128xi32, #tpu.memory_space<vmem>>)
      tpu.yield
    }) : () -> ()
    "tpu.region"() ({
      %run_scoped3A = tpu.sem_alloc : memref<!tpu.dma_semaphore, #tpu.memory_space<semaphore_mem>>
      %dma_start3A_101 = arith.constant 40 : i32
      %dma_start3A_102 = arith.constant 0 : i32
      %dma_start3A_103 = tpu.memref_slice %arg3[%add3A, %dma_start3A_101, %dma_start3A_102] : memref<32x80x128xi32, #tpu.memory_space<hbm>> -> memref<1x40x128xi32, #tpu.memory_space<hbm>>
      %dma_start3A_104 = tpu.memref_squeeze %dma_start3A_103 : memref<1x40x128xi32, #tpu.memory_space<hbm>> -> memref<40x128xi32, #tpu.memory_space<hbm>>
      %dma_start3A_105 = arith.constant 40 : i32
      %dma_start3A_106 = arith.constant 0 : i32
      %dma_start3A_107 = tpu.memref_slice %arg3[%add3A, %dma_start3A_105, %dma_start3A_106] : memref<32x80x128xi32, #tpu.memory_space<hbm>> -> memref<1x40x128xi32, #tpu.memory_space<hbm>>
      %dma_start3A_108 = tpu.memref_squeeze %dma_start3A_107 : memref<1x40x128xi32, #tpu.memory_space<hbm>> -> memref<40x128xi32, #tpu.memory_space<hbm>>
      tpu.enqueue_dma source(%dma_start3A_108 : memref<40x128xi32, #tpu.memory_space<hbm>>) target(%arg7 : memref<40x128xi32, #tpu.memory_space<vmem>>) target_semaphore(%run_scoped3A : memref<!tpu.dma_semaphore, #tpu.memory_space<semaphore_mem>>)
      %dma_wait3A = arith.constant 40 : i32
      %dma_wait3A_109 = arith.constant 0 : i32
      %dma_wait3A_110 = tpu.memref_slice %arg3[%add3A, %dma_wait3A, %dma_wait3A_109] : memref<32x80x128xi32, #tpu.memory_space<hbm>> -> memref<1x40x128xi32, #tpu.memory_space<hbm>>
      %dma_wait3A_111 = tpu.memref_squeeze %dma_wait3A_110 : memref<1x40x128xi32, #tpu.memory_space<hbm>> -> memref<40x128xi32, #tpu.memory_space<hbm>>
      %dma_wait3A_112 = arith.constant 40 : i32
      %dma_wait3A_113 = arith.constant 0 : i32
      %dma_wait3A_114 = tpu.memref_slice %arg3[%add3A, %dma_wait3A_112, %dma_wait3A_113] : memref<32x80x128xi32, #tpu.memory_space<hbm>> -> memref<1x40x128xi32, #tpu.memory_space<hbm>>
      %dma_wait3A_115 = tpu.memref_squeeze %dma_wait3A_114 : memref<1x40x128xi32, #tpu.memory_space<hbm>> -> memref<40x128xi32, #tpu.memory_space<hbm>>
      tpu.wait_dma2 semaphore(%run_scoped3A : memref<!tpu.dma_semaphore, #tpu.memory_space<semaphore_mem>>) src(%dma_wait3A_115 : memref<40x128xi32, #tpu.memory_space<hbm>>) dst(%arg7 : memref<40x128xi32, #tpu.memory_space<vmem>>)
      tpu.yield
    }) : () -> ()
    %dma_start3A_41 = arith.constant 0 : i32
    %dma_start3A_42 = arith.constant 0 : i32
    %dma_start3A_43 = tpu.memref_slice %arg6[%dma_start3A_41, %dma_start3A_42] : memref<40x128xi32, #tpu.memory_space<vmem>> -> memref<1x128xi32, #tpu.memory_space<vmem>>
    %dma_start3A_44 = tpu.memref_squeeze %dma_start3A_43 : memref<1x128xi32, #tpu.memory_space<vmem>> -> memref<128xi32, #tpu.memory_space<vmem>>
    %dma_start3A_45 = arith.constant 0 : i32
    %dma_start3A_46 = arith.constant 0 : i32
    %dma_start3A_47 = tpu.memref_slice %arg4[%dma_start3A_45, %dma_start3A_46] : memref<10008x128xf32, #tpu.memory_space<hbm>> -> memref<10008x128xf32, #tpu.memory_space<hbm>>
    tpu.enqueue_indirect_dma source(%dma_start3A_47 : memref<10008x128xf32, #tpu.memory_space<hbm>>) target(%arg8 : memref<128x128xf32, #tpu.memory_space<vmem>>) offsets(%dma_start3A_44 : memref<128xi32, #tpu.memory_space<vmem>>) semaphore(%arg10 : memref<!tpu.dma_semaphore, #tpu.memory_space<semaphore_mem>>)
    %scan3A_48 = arith.constant 0 : i32
    %scan3A_49 = arith.constant 0 : i32
    %scan3A_50 = arith.constant 20 : i32
    %scan3A_51 = arith.addi %scan3A_49, %scan3A_50 : i32
    %scan3A_52 = arith.constant 1 : i32
    %scan3A_53 = scf.for %scan3A_101 = %scan3A_49 to %scan3A_51 step %scan3A_52 iter_args(%scan3A_102 = %scan3A_48) -> (i32)  : i32 {
      %mul3A_103 = arith.constant 2 : i32
      %mul3A_104 = arith.muli %scan3A_101, %mul3A_103 : i32
      %add3A_105 = arith.constant 1 : i32
      %add3A_106 = arith.addi %mul3A_104, %add3A_105 : i32
      %dma_start3A_107 = arith.constant 0 : i32
      %dma_start3A_108 = tpu.memref_slice %arg6[%add3A_106, %dma_start3A_107] : memref<40x128xi32, #tpu.memory_space<vmem>> -> memref<1x128xi32, #tpu.memory_space<vmem>>
      %dma_start3A_109 = tpu.memref_squeeze %dma_start3A_108 : memref<1x128xi32, #tpu.memory_space<vmem>> -> memref<128xi32, #tpu.memory_space<vmem>>
      %dma_start3A_110 = arith.constant 0 : i32
      %dma_start3A_111 = arith.constant 0 : i32
      %dma_start3A_112 = tpu.memref_slice %arg4[%dma_start3A_110, %dma_start3A_111] : memref<10008x128xf32, #tpu.memory_space<hbm>> -> memref<10008x128xf32, #tpu.memory_space<hbm>>
      tpu.enqueue_indirect_dma source(%dma_start3A_112 : memref<10008x128xf32, #tpu.memory_space<hbm>>) target(%arg9 : memref<128x128xf32, #tpu.memory_space<vmem>>) offsets(%dma_start3A_109 : memref<128xi32, #tpu.memory_space<vmem>>) semaphore(%arg11 : memref<!tpu.dma_semaphore, #tpu.memory_space<semaphore_mem>>)
      %dma_wait3A = arith.constant 0 : i32
      %dma_wait3A_113 = tpu.memref_slice %arg6[%mul3A_104, %dma_wait3A] : memref<40x128xi32, #tpu.memory_space<vmem>> -> memref<1x128xi32, #tpu.memory_space<vmem>>
      %dma_wait3A_114 = tpu.memref_squeeze %dma_wait3A_113 : memref<1x128xi32, #tpu.memory_space<vmem>> -> memref<128xi32, #tpu.memory_space<vmem>>
      %dma_wait3A_115 = arith.constant 0 : i32
      %dma_wait3A_116 = arith.constant 0 : i32
      %dma_wait3A_117 = tpu.memref_slice %arg4[%dma_wait3A_115, %dma_wait3A_116] : memref<10008x128xf32, #tpu.memory_space<hbm>> -> memref<10008x128xf32, #tpu.memory_space<hbm>>
      tpu.wait_indirect_dma semaphore(%arg10 : memref<!tpu.dma_semaphore, #tpu.memory_space<semaphore_mem>>) src(%dma_wait3A_117 : memref<10008x128xf32, #tpu.memory_space<hbm>>) dst(%arg8 : memref<128x128xf32, #tpu.memory_space<vmem>>)
      "tpu.region"() ({
        %run_scoped3A = tpu.sem_alloc : memref<!tpu.dma_semaphore, #tpu.memory_space<semaphore_mem>>
        %dma_start3A_129 = arith.constant 0 : i32
        %dma_start3A_130 = tpu.memref_slice %arg7[%mul3A_104, %dma_start3A_129] : memref<40x128xi32, #tpu.memory_space<vmem>> -> memref<1x128xi32, #tpu.memory_space<vmem>>
        %dma_start3A_131 = tpu.memref_squeeze %dma_start3A_130 : memref<1x128xi32, #tpu.memory_space<vmem>> -> memref<128xi32, #tpu.memory_space<vmem>>
        %dma_start3A_132 = arith.constant 0 : i32
        %dma_start3A_133 = arith.constant 0 : i32
        %dma_start3A_134 = tpu.memref_slice %arg12[%dma_start3A_132, %dma_start3A_133] : memref<10240x128xf32, #tpu.memory_space<vmem_shared>> -> memref<10240x128xf32, #tpu.memory_space<vmem_shared>>
        tpu.enqueue_indirect_dma source(%arg8 : memref<128x128xf32, #tpu.memory_space<vmem>>) target(%dma_start3A_134 : memref<10240x128xf32, #tpu.memory_space<vmem_shared>>) offsets(%dma_start3A_131 : memref<128xi32, #tpu.memory_space<vmem>>) semaphore(%run_scoped3A : memref<!tpu.dma_semaphore, #tpu.memory_space<semaphore_mem>>) {add = true}
        %dma_wait3A_135 = arith.constant 0 : i32
        %dma_wait3A_136 = tpu.memref_slice %arg7[%mul3A_104, %dma_wait3A_135] : memref<40x128xi32, #tpu.memory_space<vmem>> -> memref<1x128xi32, #tpu.memory_space<vmem>>
        %dma_wait3A_137 = tpu.memref_squeeze %dma_wait3A_136 : memref<1x128xi32, #tpu.memory_space<vmem>> -> memref<128xi32, #tpu.memory_space<vmem>>
        %dma_wait3A_138 = arith.constant 0 : i32
        %dma_wait3A_139 = arith.constant 0 : i32
        %dma_wait3A_140 = tpu.memref_slice %arg12[%dma_wait3A_138, %dma_wait3A_139] : memref<10240x128xf32, #tpu.memory_space<vmem_shared>> -> memref<10240x128xf32, #tpu.memory_space<vmem_shared>>
        tpu.wait_indirect_dma semaphore(%run_scoped3A : memref<!tpu.dma_semaphore, #tpu.memory_space<semaphore_mem>>) src(%arg8 : memref<128x128xf32, #tpu.memory_space<vmem>>) dst(%dma_wait3A_140 : memref<10240x128xf32, #tpu.memory_space<vmem_shared>>)
        tpu.yield
      }) : () -> ()
      %add3A_118 = arith.constant 2 : i32
      %add3A_119 = arith.addi %mul3A_104, %add3A_118 : i32
      %lt3A = arith.constant 40 : i32
      %lt3A_120 = arith.cmpi slt, %add3A_119, %lt3A : i32
      %convert_element_type3A = arith.extui %lt3A_120 : i1 to i32
      %cond3A = arith.constant 0 : i32
      %cond3A_121 = arith.cmpi ne, %convert_element_type3A, %cond3A : i32
      scf.if %cond3A_121 {
        %add3A_129 = arith.constant 2 : i32
        %add3A_130 = arith.addi %mul3A_104, %add3A_129 : i32
        %dma_start3A_131 = arith.constant 0 : i32
        %dma_start3A_132 = tpu.memref_slice %arg6[%add3A_130, %dma_start3A_131] : memref<40x128xi32, #tpu.memory_space<vmem>> -> memref<1x128xi32, #tpu.memory_space<vmem>>
        %dma_start3A_133 = tpu.memref_squeeze %dma_start3A_132 : memref<1x128xi32, #tpu.memory_space<vmem>> -> memref<128xi32, #tpu.memory_space<vmem>>
        %dma_start3A_134 = arith.constant 0 : i32
        %dma_start3A_135 = arith.constant 0 : i32
        %dma_start3A_136 = tpu.memref_slice %arg4[%dma_start3A_134, %dma_start3A_135] : memref<10008x128xf32, #tpu.memory_space<hbm>> -> memref<10008x128xf32, #tpu.memory_space<hbm>>
        tpu.enqueue_indirect_dma source(%dma_start3A_136 : memref<10008x128xf32, #tpu.memory_space<hbm>>) target(%arg8 : memref<128x128xf32, #tpu.memory_space<vmem>>) offsets(%dma_start3A_133 : memref<128xi32, #tpu.memory_space<vmem>>) semaphore(%arg10 : memref<!tpu.dma_semaphore, #tpu.memory_space<semaphore_mem>>)
      } else {
      }
      %dma_wait3A_122 = arith.constant 0 : i32
      %dma_wait3A_123 = tpu.memref_slice %arg6[%add3A_106, %dma_wait3A_122] : memref<40x128xi32, #tpu.memory_space<vmem>> -> memref<1x128xi32, #tpu.memory_space<vmem>>
      %dma_wait3A_124 = tpu.memref_squeeze %dma_wait3A_123 : memref<1x128xi32, #tpu.memory_space<vmem>> -> memref<128xi32, #tpu.memory_space<vmem>>
      %dma_wait3A_125 = arith.constant 0 : i32
      %dma_wait3A_126 = arith.constant 0 : i32
      %dma_wait3A_127 = tpu.memref_slice %arg4[%dma_wait3A_125, %dma_wait3A_126] : memref<10008x128xf32, #tpu.memory_space<hbm>> -> memref<10008x128xf32, #tpu.memory_space<hbm>>
      tpu.wait_indirect_dma semaphore(%arg11 : memref<!tpu.dma_semaphore, #tpu.memory_space<semaphore_mem>>) src(%dma_wait3A_127 : memref<10008x128xf32, #tpu.memory_space<hbm>>) dst(%arg9 : memref<128x128xf32, #tpu.memory_space<vmem>>)
      "tpu.region"() ({
        %run_scoped3A = tpu.sem_alloc : memref<!tpu.dma_semaphore, #tpu.memory_space<semaphore_mem>>
        %dma_start3A_129 = arith.constant 0 : i32
        %dma_start3A_130 = tpu.memref_slice %arg7[%add3A_106, %dma_start3A_129] : memref<40x128xi32, #tpu.memory_space<vmem>> -> memref<1x128xi32, #tpu.memory_space<vmem>>
        %dma_start3A_131 = tpu.memref_squeeze %dma_start3A_130 : memref<1x128xi32, #tpu.memory_space<vmem>> -> memref<128xi32, #tpu.memory_space<vmem>>
        %dma_start3A_132 = arith.constant 0 : i32
        %dma_start3A_133 = arith.constant 0 : i32
        %dma_start3A_134 = tpu.memref_slice %arg12[%dma_start3A_132, %dma_start3A_133] : memref<10240x128xf32, #tpu.memory_space<vmem_shared>> -> memref<10240x128xf32, #tpu.memory_space<vmem_shared>>
        tpu.enqueue_indirect_dma source(%arg9 : memref<128x128xf32, #tpu.memory_space<vmem>>) target(%dma_start3A_134 : memref<10240x128xf32, #tpu.memory_space<vmem_shared>>) offsets(%dma_start3A_131 : memref<128xi32, #tpu.memory_space<vmem>>) semaphore(%run_scoped3A : memref<!tpu.dma_semaphore, #tpu.memory_space<semaphore_mem>>) {add = true}
        %dma_wait3A_135 = arith.constant 0 : i32
        %dma_wait3A_136 = tpu.memref_slice %arg7[%add3A_106, %dma_wait3A_135] : memref<40x128xi32, #tpu.memory_space<vmem>> -> memref<1x128xi32, #tpu.memory_space<vmem>>
        %dma_wait3A_137 = tpu.memref_squeeze %dma_wait3A_136 : memref<1x128xi32, #tpu.memory_space<vmem>> -> memref<128xi32, #tpu.memory_space<vmem>>
        %dma_wait3A_138 = arith.constant 0 : i32
        %dma_wait3A_139 = arith.constant 0 : i32
        %dma_wait3A_140 = tpu.memref_slice %arg12[%dma_wait3A_138, %dma_wait3A_139] : memref<10240x128xf32, #tpu.memory_space<vmem_shared>> -> memref<10240x128xf32, #tpu.memory_space<vmem_shared>>
        tpu.wait_indirect_dma semaphore(%run_scoped3A : memref<!tpu.dma_semaphore, #tpu.memory_space<semaphore_mem>>) src(%arg9 : memref<128x128xf32, #tpu.memory_space<vmem>>) dst(%dma_wait3A_140 : memref<10240x128xf32, #tpu.memory_space<vmem_shared>>)
        tpu.yield
      }) : () -> ()
      %scan3A_128 = arith.constant 0 : i32
      scf.yield %scan3A_128 : i32
    }
    %scan3A_54 = arith.constant 20 : i32
    %barrier3A_55 = arith.constant 0 : index
    tpu.barrier barrier_id(%barrier3A_55)
    %add3A_56 = arith.constant 0 : i32
    %add3A_57 = arith.addi %arg1, %add3A_56 : i32
    %mul3A_58 = arith.constant 128 : i32
    %mul3A_59 = arith.muli %add3A_57, %mul3A_58 : i32
    %mul3A_60 = arith.constant 10240 : i32
    %mul3A_61 = arith.muli %arg0, %mul3A_60 : i32
    %mul3A_62 = arith.constant 128 : i32
    %mul3A_63 = arith.muli %add3A_57, %mul3A_62 : i32
    %add3A_64 = arith.addi %mul3A_61, %mul3A_63 : i32
    "tpu.region"() ({
      %run_scoped3A = tpu.sem_alloc : memref<!tpu.dma_semaphore, #tpu.memory_space<semaphore_mem>>
      %dma_start3A_101 = arith.constant 0 : i32
      %dma_start3A_102 = tpu.memref_slice %arg5[%add3A_64, %dma_start3A_101] : memref<20480x128xf32, #tpu.memory_space<hbm>> -> memref<128x128xf32, #tpu.memory_space<hbm>>
      %dma_start3A_103 = arith.constant 0 : i32
      %dma_start3A_104 = tpu.memref_slice %arg12[%mul3A_59, %dma_start3A_103] : memref<10240x128xf32, #tpu.memory_space<vmem_shared>> -> memref<128x128xf32, #tpu.memory_space<vmem_shared>>
      tpu.enqueue_dma source(%dma_start3A_104 : memref<128x128xf32, #tpu.memory_space<vmem_shared>>) target(%dma_start3A_102 : memref<128x128xf32, #tpu.memory_space<hbm>>) target_semaphore(%run_scoped3A : memref<!tpu.dma_semaphore, #tpu.memory_space<semaphore_mem>>)
      %dma_wait3A = arith.constant 0 : i32
      %dma_wait3A_105 = tpu.memref_slice %arg5[%add3A_64, %dma_wait3A] : memref<20480x128xf32, #tpu.memory_space<hbm>> -> memref<128x128xf32, #tpu.memory_space<hbm>>
      %dma_wait3A_106 = arith.constant 0 : i32
      %dma_wait3A_107 = tpu.memref_slice %arg12[%mul3A_59, %dma_wait3A_106] : memref<10240x128xf32, #tpu.memory_space<vmem_shared>> -> memref<128x128xf32, #tpu.memory_space<vmem_shared>>
      tpu.wait_dma2 semaphore(%run_scoped3A : memref<!tpu.dma_semaphore, #tpu.memory_space<semaphore_mem>>) src(%dma_wait3A_107 : memref<128x128xf32, #tpu.memory_space<vmem_shared>>) dst(%dma_wait3A_105 : memref<128x128xf32, #tpu.memory_space<hbm>>)
      tpu.yield
    }) : () -> ()
    %add3A_65 = arith.constant 16 : i32
    %add3A_66 = arith.addi %arg1, %add3A_65 : i32
    %mul3A_67 = arith.constant 128 : i32
    %mul3A_68 = arith.muli %add3A_66, %mul3A_67 : i32
    %mul3A_69 = arith.constant 10240 : i32
    %mul3A_70 = arith.muli %arg0, %mul3A_69 : i32
    %mul3A_71 = arith.constant 128 : i32
    %mul3A_72 = arith.muli %add3A_66, %mul3A_71 : i32
    %add3A_73 = arith.addi %mul3A_70, %mul3A_72 : i32
    "tpu.region"() ({
      %run_scoped3A = tpu.sem_alloc : memref<!tpu.dma_semaphore, #tpu.memory_space<semaphore_mem>>
      %dma_start3A_101 = arith.constant 0 : i32
      %dma_start3A_102 = tpu.memref_slice %arg5[%add3A_73, %dma_start3A_101] : memref<20480x128xf32, #tpu.memory_space<hbm>> -> memref<128x128xf32, #tpu.memory_space<hbm>>
      %dma_start3A_103 = arith.constant 0 : i32
      %dma_start3A_104 = tpu.memref_slice %arg12[%mul3A_68, %dma_start3A_103] : memref<10240x128xf32, #tpu.memory_space<vmem_shared>> -> memref<128x128xf32, #tpu.memory_space<vmem_shared>>
      tpu.enqueue_dma source(%dma_start3A_104 : memref<128x128xf32, #tpu.memory_space<vmem_shared>>) target(%dma_start3A_102 : memref<128x128xf32, #tpu.memory_space<hbm>>) target_semaphore(%run_scoped3A : memref<!tpu.dma_semaphore, #tpu.memory_space<semaphore_mem>>)
      %dma_wait3A = arith.constant 0 : i32
      %dma_wait3A_105 = tpu.memref_slice %arg5[%add3A_73, %dma_wait3A] : memref<20480x128xf32, #tpu.memory_space<hbm>> -> memref<128x128xf32, #tpu.memory_space<hbm>>
      %dma_wait3A_106 = arith.constant 0 : i32
      %dma_wait3A_107 = tpu.memref_slice %arg12[%mul3A_68, %dma_wait3A_106] : memref<10240x128xf32, #tpu.memory_space<vmem_shared>> -> memref<128x128xf32, #tpu.memory_space<vmem_shared>>
      tpu.wait_dma2 semaphore(%run_scoped3A : memref<!tpu.dma_semaphore, #tpu.memory_space<semaphore_mem>>) src(%dma_wait3A_107 : memref<128x128xf32, #tpu.memory_space<vmem_shared>>) dst(%dma_wait3A_105 : memref<128x128xf32, #tpu.memory_space<hbm>>)
      tpu.yield
    }) : () -> ()
    %add3A_74 = arith.constant 32 : i32
    %add3A_75 = arith.addi %arg1, %add3A_74 : i32
    %mul3A_76 = arith.constant 128 : i32
    %mul3A_77 = arith.muli %add3A_75, %mul3A_76 : i32
    %mul3A_78 = arith.constant 10240 : i32
    %mul3A_79 = arith.muli %arg0, %mul3A_78 : i32
    %mul3A_80 = arith.constant 128 : i32
    %mul3A_81 = arith.muli %add3A_75, %mul3A_80 : i32
    %add3A_82 = arith.addi %mul3A_79, %mul3A_81 : i32
    "tpu.region"() ({
      %run_scoped3A = tpu.sem_alloc : memref<!tpu.dma_semaphore, #tpu.memory_space<semaphore_mem>>
      %dma_start3A_101 = arith.constant 0 : i32
      %dma_start3A_102 = tpu.memref_slice %arg5[%add3A_82, %dma_start3A_101] : memref<20480x128xf32, #tpu.memory_space<hbm>> -> memref<128x128xf32, #tpu.memory_space<hbm>>
      %dma_start3A_103 = arith.constant 0 : i32
      %dma_start3A_104 = tpu.memref_slice %arg12[%mul3A_77, %dma_start3A_103] : memref<10240x128xf32, #tpu.memory_space<vmem_shared>> -> memref<128x128xf32, #tpu.memory_space<vmem_shared>>
      tpu.enqueue_dma source(%dma_start3A_104 : memref<128x128xf32, #tpu.memory_space<vmem_shared>>) target(%dma_start3A_102 : memref<128x128xf32, #tpu.memory_space<hbm>>) target_semaphore(%run_scoped3A : memref<!tpu.dma_semaphore, #tpu.memory_space<semaphore_mem>>)
      %dma_wait3A = arith.constant 0 : i32
      %dma_wait3A_105 = tpu.memref_slice %arg5[%add3A_82, %dma_wait3A] : memref<20480x128xf32, #tpu.memory_space<hbm>> -> memref<128x128xf32, #tpu.memory_space<hbm>>
      %dma_wait3A_106 = arith.constant 0 : i32
      %dma_wait3A_107 = tpu.memref_slice %arg12[%mul3A_77, %dma_wait3A_106] : memref<10240x128xf32, #tpu.memory_space<vmem_shared>> -> memref<128x128xf32, #tpu.memory_space<vmem_shared>>
      tpu.wait_dma2 semaphore(%run_scoped3A : memref<!tpu.dma_semaphore, #tpu.memory_space<semaphore_mem>>) src(%dma_wait3A_107 : memref<128x128xf32, #tpu.memory_space<vmem_shared>>) dst(%dma_wait3A_105 : memref<128x128xf32, #tpu.memory_space<hbm>>)
      tpu.yield
    }) : () -> ()
    %add3A_83 = arith.constant 48 : i32
    %add3A_84 = arith.addi %arg1, %add3A_83 : i32
    %mul3A_85 = arith.constant 128 : i32
    %mul3A_86 = arith.muli %add3A_84, %mul3A_85 : i32
    %mul3A_87 = arith.constant 10240 : i32
    %mul3A_88 = arith.muli %arg0, %mul3A_87 : i32
    %mul3A_89 = arith.constant 128 : i32
    %mul3A_90 = arith.muli %add3A_84, %mul3A_89 : i32
    %add3A_91 = arith.addi %mul3A_88, %mul3A_90 : i32
    "tpu.region"() ({
      %run_scoped3A = tpu.sem_alloc : memref<!tpu.dma_semaphore, #tpu.memory_space<semaphore_mem>>
      %dma_start3A_101 = arith.constant 0 : i32
      %dma_start3A_102 = tpu.memref_slice %arg5[%add3A_91, %dma_start3A_101] : memref<20480x128xf32, #tpu.memory_space<hbm>> -> memref<128x128xf32, #tpu.memory_space<hbm>>
      %dma_start3A_103 = arith.constant 0 : i32
      %dma_start3A_104 = tpu.memref_slice %arg12[%mul3A_86, %dma_start3A_103] : memref<10240x128xf32, #tpu.memory_space<vmem_shared>> -> memref<128x128xf32, #tpu.memory_space<vmem_shared>>
      tpu.enqueue_dma source(%dma_start3A_104 : memref<128x128xf32, #tpu.memory_space<vmem_shared>>) target(%dma_start3A_102 : memref<128x128xf32, #tpu.memory_space<hbm>>) target_semaphore(%run_scoped3A : memref<!tpu.dma_semaphore, #tpu.memory_space<semaphore_mem>>)
      %dma_wait3A = arith.constant 0 : i32
      %dma_wait3A_105 = tpu.memref_slice %arg5[%add3A_91, %dma_wait3A] : memref<20480x128xf32, #tpu.memory_space<hbm>> -> memref<128x128xf32, #tpu.memory_space<hbm>>
      %dma_wait3A_106 = arith.constant 0 : i32
      %dma_wait3A_107 = tpu.memref_slice %arg12[%mul3A_86, %dma_wait3A_106] : memref<10240x128xf32, #tpu.memory_space<vmem_shared>> -> memref<128x128xf32, #tpu.memory_space<vmem_shared>>
      tpu.wait_dma2 semaphore(%run_scoped3A : memref<!tpu.dma_semaphore, #tpu.memory_space<semaphore_mem>>) src(%dma_wait3A_107 : memref<128x128xf32, #tpu.memory_space<vmem_shared>>) dst(%dma_wait3A_105 : memref<128x128xf32, #tpu.memory_space<hbm>>)
      tpu.yield
    }) : () -> ()
    %add3A_92 = arith.constant 64 : i32
    %add3A_93 = arith.addi %arg1, %add3A_92 : i32
    %mul3A_94 = arith.constant 128 : i32
    %mul3A_95 = arith.muli %add3A_93, %mul3A_94 : i32
    %mul3A_96 = arith.constant 10240 : i32
    %mul3A_97 = arith.muli %arg0, %mul3A_96 : i32
    %mul3A_98 = arith.constant 128 : i32
    %mul3A_99 = arith.muli %add3A_93, %mul3A_98 : i32
    %add3A_100 = arith.addi %mul3A_97, %mul3A_99 : i32
    "tpu.region"() ({
      %run_scoped3A = tpu.sem_alloc : memref<!tpu.dma_semaphore, #tpu.memory_space<semaphore_mem>>
      %dma_start3A_101 = arith.constant 0 : i32
      %dma_start3A_102 = tpu.memref_slice %arg5[%add3A_100, %dma_start3A_101] : memref<20480x128xf32, #tpu.memory_space<hbm>> -> memref<128x128xf32, #tpu.memory_space<hbm>>
      %dma_start3A_103 = arith.constant 0 : i32
      %dma_start3A_104 = tpu.memref_slice %arg12[%mul3A_95, %dma_start3A_103] : memref<10240x128xf32, #tpu.memory_space<vmem_shared>> -> memref<128x128xf32, #tpu.memory_space<vmem_shared>>
      tpu.enqueue_dma source(%dma_start3A_104 : memref<128x128xf32, #tpu.memory_space<vmem_shared>>) target(%dma_start3A_102 : memref<128x128xf32, #tpu.memory_space<hbm>>) target_semaphore(%run_scoped3A : memref<!tpu.dma_semaphore, #tpu.memory_space<semaphore_mem>>)
      %dma_wait3A = arith.constant 0 : i32
      %dma_wait3A_105 = tpu.memref_slice %arg5[%add3A_100, %dma_wait3A] : memref<20480x128xf32, #tpu.memory_space<hbm>> -> memref<128x128xf32, #tpu.memory_space<hbm>>
      %dma_wait3A_106 = arith.constant 0 : i32
      %dma_wait3A_107 = tpu.memref_slice %arg12[%mul3A_95, %dma_wait3A_106] : memref<10240x128xf32, #tpu.memory_space<vmem_shared>> -> memref<128x128xf32, #tpu.memory_space<vmem_shared>>
      tpu.wait_dma2 semaphore(%run_scoped3A : memref<!tpu.dma_semaphore, #tpu.memory_space<semaphore_mem>>) src(%dma_wait3A_107 : memref<128x128xf32, #tpu.memory_space<vmem_shared>>) dst(%dma_wait3A_105 : memref<128x128xf32, #tpu.memory_space<hbm>>)
      tpu.yield
    }) : () -> ()
    return
  }
}

module attributes {stable_mosaic.version = 14 : i64} {
  func.func @_lin_body(%arg0: i32, %arg1: memref<1000x128xf32, #tpu.memory_space<vmem>>, %arg2: memref<128x128xf32, #tpu.memory_space<vmem>>, %arg3: memref<1000x32xf32, #tpu.memory_space<vmem>>, %arg4: memref<1000x128xf32, #tpu.memory_space<vmem>>) attributes {dimension_semantics = [#tpu.dimension_semantics<arbitrary>], iteration_bounds = array<i64: 10>, scalar_prefetch = 0 : i64, scratch_operands = 0 : i64, tpu.core_type = #tpu.core_type<tc>, window_params = [{transform_indices = @transform_0, window_bounds = array<i64: 1000, 128>}, {pipeline_mode = #tpu.pipeline_mode<synchronous>, transform_indices = @transform_1, window_bounds = array<i64: 128, 128>}, {transform_indices = @transform_2, window_bounds = array<i64: 1000, 32>}, {transform_indices = @transform_3, window_bounds = array<i64: 1000, 128>}]} {
    %get3A = arith.constant 0 : index
    %get3A_0 = arith.constant 0 : index
    %get3A_1 = vector.load %arg3[%get3A, %get3A_0] : memref<1000x32xf32, #tpu.memory_space<vmem>>, vector<1000x32xf32>
    %reduce_sum3A = arith.constant dense<0.000000e+00> : vector<1000xf32>
    %reduce_sum3A_2 = vector.multi_reduction <add>, %get3A_1, %reduce_sum3A [1] : vector<1000x32xf32> to vector<1000xf32>
    %add3A = arith.constant 1.000000e+00 : f32
    %add3A_3 = vector.broadcast %add3A : f32 to vector<1000xf32>
    %add3A_4 = arith.addf %add3A_3, %reduce_sum3A_2 : vector<1000xf32>
    %rsqrt3A = math.rsqrt %add3A_4 : vector<1000xf32>
    %get3A_5 = arith.constant 0 : index
    %get3A_6 = arith.constant 0 : index
    %get3A_7 = vector.load %arg1[%get3A_5, %get3A_6] : memref<1000x128xf32, #tpu.memory_space<vmem>>, vector<1000x128xf32>
    %get3A_8 = arith.constant 0 : index
    %get3A_9 = arith.constant 0 : index
    %get3A_10 = vector.load %arg2[%get3A_8, %get3A_9] : memref<128x128xf32, #tpu.memory_space<vmem>>, vector<128x128xf32>
    %dot_general3A = arith.constant dense<0.000000e+00> : vector<1000x128xf32>
    %dot_general3A_11 = tpu.matmul %get3A_7, %get3A_10, %dot_general3A {dimension_numbers = #tpu.dot_dimension_numbers<[1], [1], [0], [0], [0, 0, 1, 0], [], []>, transpose_lhs_hint = false} : vector<1000x128xf32>, vector<128x128xf32>, vector<1000x128xf32> -> vector<1000x128xf32>
    %broadcast_in_dim3A = vector.shape_cast %rsqrt3A : vector<1000xf32> to vector<1000x1xf32>
    %mul3A = vector.broadcast %broadcast_in_dim3A : vector<1000x1xf32> to vector<1000x128xf32>
    %mul3A_12 = arith.mulf %dot_general3A_11, %mul3A : vector<1000x128xf32>
    %swap3A = arith.constant 0 : index
    %swap3A_13 = arith.constant 0 : index
    %swap3A_14 = vector.load %arg4[%swap3A, %swap3A_13] : memref<1000x128xf32, #tpu.memory_space<vmem>>, vector<1000x128xf32>
    tpu.vector_store %arg4[%swap3A, %swap3A_13], %mul3A_12 {strides = array<i32>} : memref<1000x128xf32, #tpu.memory_space<vmem>>, vector<1000x128xf32>,
    return
  }
  func.func @transform_0(%arg0: i32) -> (i32, i32) {
    %c0_i32 = arith.constant 0 : i32
    %c0_i32_0 = arith.constant 0 : i32
    return %arg0, %c0_i32 : i32, i32
  }
  func.func @transform_1(%arg0: i32) -> (i32, i32) {
    %c0_i32 = arith.constant 0 : i32
    %c0_i32_0 = arith.constant 0 : i32
    %c0_i32_1 = arith.constant 0 : i32
    return %c0_i32, %c0_i32_0 : i32, i32
  }
  func.func @transform_2(%arg0: i32) -> (i32, i32) {
    %c0_i32 = arith.constant 0 : i32
    %c0_i32_0 = arith.constant 0 : i32
    return %arg0, %c0_i32 : i32, i32
  }
  func.func @transform_3(%arg0: i32) -> (i32, i32) {
    %c0_i32 = arith.constant 0 : i32
    %c0_i32_0 = arith.constant 0 : i32
    return %arg0, %c0_i32 : i32, i32
  }
}

module attributes {stable_mosaic.version = 14 : i64} {
  func.func @_fin_body(%arg0: i32, %arg1: memref<2x1000x128xf32, #tpu.memory_space<vmem>>, %arg2: memref<1000x128xf32, #tpu.memory_space<vmem>>, %arg3: memref<1000x32xf32, #tpu.memory_space<vmem>>, %arg4: memref<1x128xf32, #tpu.memory_space<vmem>>, %arg5: memref<1000x128xf32, #tpu.memory_space<vmem>>) attributes {dimension_semantics = [#tpu.dimension_semantics<arbitrary>], iteration_bounds = array<i64: 10>, scalar_prefetch = 0 : i64, scratch_operands = 0 : i64, tpu.core_type = #tpu.core_type<tc>, window_params = [{transform_indices = @transform_0, window_bounds = array<i64: 2, 1000, 128>}, {transform_indices = @transform_1, window_bounds = array<i64: 1000, 128>}, {transform_indices = @transform_2, window_bounds = array<i64: 1000, 32>}, {pipeline_mode = #tpu.pipeline_mode<synchronous>, transform_indices = @transform_3, window_bounds = array<i64: 1, 128>}, {transform_indices = @transform_4, window_bounds = array<i64: 1000, 128>}]} {
    %get3A = arith.constant 0 : index
    %get3A_0 = arith.constant 0 : index
    %get3A_1 = vector.load %arg3[%get3A, %get3A_0] : memref<1000x32xf32, #tpu.memory_space<vmem>>, vector<1000x32xf32>
    %reduce_sum3A = arith.constant dense<0.000000e+00> : vector<1000xf32>
    %reduce_sum3A_2 = vector.multi_reduction <add>, %get3A_1, %reduce_sum3A [1] : vector<1000x32xf32> to vector<1000xf32>
    %add3A = arith.constant 1.000000e+00 : f32
    %add3A_3 = vector.broadcast %add3A : f32 to vector<1000xf32>
    %add3A_4 = arith.addf %add3A_3, %reduce_sum3A_2 : vector<1000xf32>
    %rsqrt3A = math.rsqrt %add3A_4 : vector<1000xf32>
    %get3A_5 = arith.constant 0 : index
    %get3A_6 = arith.constant 0 : index
    %get3A_7 = arith.constant 0 : index
    %get3A_8 = vector.load %arg1[%get3A_5, %get3A_6, %get3A_7] : memref<2x1000x128xf32, #tpu.memory_space<vmem>>, vector<1x1000x128xf32>
    %get3A_9 = vector.shape_cast %get3A_8 : vector<1x1000x128xf32> to vector<1000x128xf32>
    %get3A_10 = arith.constant 1 : index
    %get3A_11 = arith.constant 0 : index
    %get3A_12 = arith.constant 0 : index
    %get3A_13 = vector.load %arg1[%get3A_10, %get3A_11, %get3A_12] : memref<2x1000x128xf32, #tpu.memory_space<vmem>>, vector<1x1000x128xf32>
    %get3A_14 = vector.shape_cast %get3A_13 : vector<1x1000x128xf32> to vector<1000x128xf32>
    %add3A_15 = arith.addf %get3A_9, %get3A_14 : vector<1000x128xf32>
    %get3A_16 = arith.constant 0 : index
    %get3A_17 = arith.constant 0 : index
    %get3A_18 = vector.load %arg2[%get3A_16, %get3A_17] : memref<1000x128xf32, #tpu.memory_space<vmem>>, vector<1000x128xf32>
    %add3A_19 = arith.addf %add3A_15, %get3A_18 : vector<1000x128xf32>
    %broadcast_in_dim3A = vector.shape_cast %rsqrt3A : vector<1000xf32> to vector<1000x1xf32>
    %mul3A = vector.broadcast %broadcast_in_dim3A : vector<1000x1xf32> to vector<1000x128xf32>
    %mul3A_20 = arith.mulf %add3A_19, %mul3A : vector<1000x128xf32>
    %get3A_21 = arith.constant 0 : index
    %get3A_22 = arith.constant 0 : index
    %get3A_23 = vector.load %arg4[%get3A_21, %get3A_22] : memref<1x128xf32, #tpu.memory_space<vmem>>, vector<1x128xf32>
    %add3A_24 = vector.broadcast %get3A_23 : vector<1x128xf32> to vector<1000x128xf32>
    %add3A_25 = arith.addf %mul3A_20, %add3A_24 : vector<1000x128xf32>
    %max3A = arith.constant 0.000000e+00 : f32
    %max3A_26 = vector.broadcast %max3A : f32 to vector<1000x128xf32>
    %max3A_27 = arith.maximumf %add3A_25, %max3A_26 : vector<1000x128xf32>
    %swap3A = arith.constant 0 : index
    %swap3A_28 = arith.constant 0 : index
    %swap3A_29 = vector.load %arg5[%swap3A, %swap3A_28] : memref<1000x128xf32, #tpu.memory_space<vmem>>, vector<1000x128xf32>
    tpu.vector_store %arg5[%swap3A, %swap3A_28], %max3A_27 {strides = array<i32>} : memref<1000x128xf32, #tpu.memory_space<vmem>>, vector<1000x128xf32>,
    return
  }
  func.func @transform_0(%arg0: i32) -> (i32, i32, i32) {
    %c0_i32 = arith.constant 0 : i32
    %c0_i32_0 = arith.constant 0 : i32
    %c0_i32_1 = arith.constant 0 : i32
    return %c0_i32, %arg0, %c0_i32_0 : i32, i32, i32
  }
  func.func @transform_1(%arg0: i32) -> (i32, i32) {
    %c0_i32 = arith.constant 0 : i32
    %c0_i32_0 = arith.constant 0 : i32
    return %arg0, %c0_i32 : i32, i32
  }
  func.func @transform_2(%arg0: i32) -> (i32, i32) {
    %c0_i32 = arith.constant 0 : i32
    %c0_i32_0 = arith.constant 0 : i32
    return %arg0, %c0_i32 : i32, i32
  }
  func.func @transform_3(%arg0: i32) -> (i32, i32) {
    %c0_i32 = arith.constant 0 : i32
    %c0_i32_0 = arith.constant 0 : i32
    %c0_i32_1 = arith.constant 0 : i32
    return %c0_i32, %c0_i32_0 : i32, i32
  }
  func.func @transform_4(%arg0: i32) -> (i32, i32) {
    %c0_i32 = arith.constant 0 : i32
    %c0_i32_0 = arith.constant 0 : i32
    return %arg0, %c0_i32 : i32, i32
  }
}

</mosaic_0001>

<sc_bundles>
// kernel: kernel.6.cloned.1.call-start
scs
__scs_entry_jumppad:
0x0: {  	(pc) =	sbr.rel $0x88, $3  }
0x1: {  	(tag) =	ssettag $0x0;
	lr =	simm.s32 $0x1  }
0x2: {  	[smem:$0x3F9D] =	sst lr;
	_ =	strace $0xD0000000  }
0x3: {  	_ = 	snop  }
0x4: {  	_ = 	snop  }
0x5: {  	_ = 	snop  }
0x6: {  	_ = 	snop  }
0x7: {  	_ = 	snop  }
__scs_overlays_trampoline_lowered:
0x8: {  	[smem:$0x3FAC] =	sst s0  }
0x9: {  	[smem:$0x3FAD] =	sst s1  }
0xa: {  	[smem:$0x3FAE] =	sst s2  }
0xb: {  	[smem:$0x3FAF] =	sst s3  }
0xc: {  	[smem:$0x3FB0] =	sst s4  }
0xd: {  	[smem:$0x3FB1] =	sst s5  }
0xe: {  	[smem:$0x3FB2] =	sst s6  }
0xf: {  	[smem:$0x3FB3] =	sst s7  }
0x10: {  	[smem:$0x3FB4] =	sst s8  }
0x11: {  	[smem:$0x3FB5] =	sst s9;
	s0 =	simm.s32 @!p0 $0x0  }
0x12: {  	s1 =	sld [smem:$0x3F9B];
	s0 =	simm.s32 @p0 $0x1  }
0x13: {  	[smem:$0x3FB6] =	sst s0;
	s0 =	simm.s32 @!p1 $0x0  }
0x14: {  	s2 =	sld [smem:$0x3F9A];
	s0 =	simm.s32 @p1 $0x1  }
0x15: {  	[smem:$0x3FB7] =	sst s0;
	s0 =	simm.s32 @!p2 $0x0  }
0x16: {  	s3 =	sld [smem:$0x3FDB];
	s0 =	simm.s32 @p2 $0x1  }
0x17: {  	s4 =	simm.s32 $0x1BF5;
	[smem:$0x3FB9] =	sst s0  }
0x18: {  	s0 =	sld [smem:$0x3F9C];
	_ =	swait.ge [sflag:s4], $0x0  }
0x19: {  	s7 =	sld [smem:$0x3F9D]  }
0x1a: {  	s8 =	sadd.s32 $0xFFFFE003, lr  }
0x1b: {  	s9 =	sadd.s32 $0xFFFFFEF7, lr;
	s5 =	simm.s32 $0xFFFFFFFF;
	p2 =	slt.u32 s8, $0xFFFFF086  }
0x1c: {  	p1 =	slt.u32 s9, $0xF7A;
	s5 =	simm.s32 @!p2 $0x0  }
0x1d: {  	s5 =	simm.s32 @p1 $0x1;
	p0 =	seq.s32 s7, s2  }
0x1e: {  	s7 =	smul.u32 @!p0 $0xF7A, s2;
	p2 =	seq.s32 @!p0 s5, $0x0  }
0x1f: {  	s9 =	smul.u32 $0xF7A, s1;
	s8 =	simm.s32 @!p0 $0x1BF5;
	p2 =	por !p2, p0  }
0x20: {  	[sflag:s8] =	ssyncset.s32 @!p0 $0xFFFFF086;
	s6 =	sadd.s32 @!p0 s3, s7;
	s7 =	simm.s32 @!p0 $0x108  }
0x21: {  	s3 =	sadd.s32 s3, s9;
	s6 =	sadd.s32 @!p0 $0x88, s6;
	s7 =	simm.s32 @p2 $0x1082  }
0x22: {  	[simem:s7], [sflag:s8] =	dma.local @!p0 [hbm:s6], $0xF7A  }
0x23: {  	s9 =	sor.u32 $0xD0000000, s2;
	s6 =	simm.s32 $0x108;
	_ =	swait.ge @!p0 [sflag:s8], $0x0  }
0x24: {  	s3 =	sadd.s32 $0x88, s3;
	s6 =	simm.s32 @!p1 $0x1082;
	[sflag:s4] =	ssyncset.s32 $0xFFFFF086  }
0x25: {  	[simem:s6], [sflag:s4] =	dma.local [hbm:s3], $0xF7A  }
0x26: {  	[smem:$0x3F9D] =	sst s1;
	(tag) =	ssettag s2;
	_ =	strace s9  }
0x27: {  	s1 =	sld [smem:$0x3FAD]  }
0x28: {  	s2 =	sld [smem:$0x3FAE]  }
0x29: {  	s4 =	sld [smem:$0x3FB0]  }
0x2a: {  	p0 =	seq.s32 s5, $0x0;
	s5 =	sld [smem:$0x3FB1]  }
0x2b: {  	s6 =	sld [smem:$0x3FB2]  }
0x2c: {  	s7 =	sld [smem:$0x3FB3]  }
0x2d: {  	s3 =	simm.s32 $0x108;
	s8 =	sld [smem:$0x3FB4]  }
0x2e: {  	s3 =	simm.s32 @!p0 $0x1082;
	s9 =	sld [smem:$0x3FB5]  }
0x2f: {  	lr =	sadd.s32 s0, s3;
	s0 =	sld [smem:$0x3FAC]  }
0x30: {  	s3 =	sld [smem:$0x3FAF]  }
0x31: {  	[smem:$0x3FB8] =	sst s10  }
0x32: {  	s10 =	sld [smem:$0x3FB6];
	_ =	sdelay $0x3  }
0x33: {  	p0 =	seq.s32 s10, $0x1;
	s10 =	sld [smem:$0x3FB8];
	_ =	sdelay $0x3  }
0x34: {  	[smem:$0x3FB8] =	sst s10  }
0x35: {  	s10 =	sld [smem:$0x3FB7];
	_ =	sdelay $0x3  }
0x36: {  	p1 =	seq.s32 s10, $0x1;
	s10 =	sld [smem:$0x3FB8];
	_ =	sdelay $0x3  }
0x37: {  	[smem:$0x3FB8] =	sst s10  }
0x38: {  	s10 =	sld [smem:$0x3FB9]  }
0x39: {  	_ = 	snop;
	(pc) =	sbr.ind lr, $3  }
0x3a: {  	_ = 	snop  }
0x3b: {  	_ = 	snop  }
0x3c: {  	p2 =	seq.s32 s10, $0x1;
	s10 =	sld [smem:$0x3FB8]  }
0x3d: {  	_ =	shalt  }
0x3e: {  	_ =	shalt  }
0x3f: {  	_ =	shalt  }
0x40: {  	_ =	shalt  }
0x41: {  	_ =	shalt  }
0x42: {  	_ =	shalt  }
0x43: {  	_ =	shalt  }
0x44: {  	_ =	shalt  }
0x45: {  	_ =	shalt  }
0x46: {  	_ =	shalt  }
0x47: {  	_ =	shalt  }
0x48: {  	_ =	shalt  }
0x49: {  	_ =	shalt  }
0x4a: {  	_ =	shalt  }
0x4b: {  	_ =	shalt  }
0x4c: {  	_ =	shalt  }
0x4d: {  	_ =	shalt  }
0x4e: {  	_ =	shalt  }
0x4f: {  	_ =	shalt  }
0x50: {  	_ =	shalt  }
0x51: {  	_ =	shalt  }
0x52: {  	_ =	shalt  }
0x53: {  	_ =	shalt  }
0x54: {  	_ =	shalt  }
0x55: {  	_ =	shalt  }
0x56: {  	_ =	shalt  }
0x57: {  	_ =	shalt  }
0x58: {  	_ =	shalt  }
0x59: {  	_ =	shalt  }
0x5a: {  	_ =	shalt  }
0x5b: {  	_ =	shalt  }
0x5c: {  	_ =	shalt  }
0x5d: {  	_ =	shalt  }
0x5e: {  	_ =	shalt  }
0x5f: {  	_ =	shalt  }
0x60: {  	_ =	shalt  }
0x61: {  	_ =	shalt  }
0x62: {  	_ =	shalt  }
0x63: {  	_ =	shalt  }
0x64: {  	_ =	shalt  }
0x65: {  	_ =	shalt  }
0x66: {  	_ =	shalt  }
0x67: {  	_ =	shalt  }
0x68: {  	_ =	shalt  }
0x69: {  	_ =	shalt  }
0x6a: {  	_ =	shalt  }
0x6b: {  	_ =	shalt  }
0x6c: {  	_ =	shalt  }
0x6d: {  	_ =	shalt  }
0x6e: {  	_ =	shalt  }
0x6f: {  	_ =	shalt  }
0x70: {  	_ =	shalt  }
0x71: {  	_ =	shalt  }
0x72: {  	_ =	shalt  }
0x73: {  	_ =	shalt  }
0x74: {  	_ =	shalt  }
0x75: {  	_ =	shalt  }
0x76: {  	_ =	shalt  }
0x77: {  	_ =	shalt  }
0x78: {  	_ =	shalt  }
0x79: {  	_ =	shalt  }
0x7a: {  	_ =	shalt  }
0x7b: {  	_ =	shalt  }
0x7c: {  	_ =	shalt  }
0x7d: {  	_ =	shalt  }
0x7e: {  	_ =	shalt  }
0x7f: {  	_ =	shalt  }
0x80: {  	_ =	shalt  }
0x81: {  	_ =	shalt  }
0x82: {  	_ =	shalt  }
0x83: {  	_ =	shalt  }
0x84: {  	_ =	shalt  }
0x85: {  	_ =	shalt  }
0x86: {  	_ =	shalt  }
0x87: {  	_ =	shalt  }
.Lfunc_end0:
.L_simem_size_0:
called_computation_lowered:
.L_overlay_start_0:
0x88: {  	s2 =	sld [smem:$0x3FD9]  }
0x89: {  	s3 =	sld [smem:$0x3FFE];
	_ =	sdelay $0x1  }
0x8a: {  	s1 =	srdreg.scid  }
0x8b: {  	s0 =	sand.u32 $0x1, s1  }
0x8c: {  	s16 =	sshll.u32 s0, $0xA;
	s2 =	sadd.s32 s3, s2  }
0x8d: {  	s2 =	sadd.s32 s2, s16  }
0x8e: {  	[smem:$0x3FC4] =	sst s2  }
0x8f: {  	_ = 	snop  }
0x90: {  	(tm) =	ssettm $0x1  }
0x91: {  	s17 =	sld [smem:$0x3FFB];
	_ =	sdelay $0x3  }
0x92: {  	_ =	strace s17  }
0x93: {  	s2 =	sld [smem:$0x3FFC];
	_ =	sdelay $0x3  }
0x94: {  	_ =	strace s2  }
0x95: {  	s2 =	sld [smem:$0x3FFD];
	_ =	sdelay $0x3  }
0x96: {  	_ =	strace s2  }
0x97: {  	_ =	strace $0x8FFFFFFF  }
0x98: {  	s18 =	sld [smem:$0x3FDB];
	_ =	sdelay $0x1  }
0x99: {  	s19 =	simm.s32 $_scs_section_size  }
0x9a: {  	s4 =	simm.s32 $_size__tile_overlayer_lowered;
	s5 =	simm.s32 $_tile_overlayer_lowered  }
0x9b: {  	s22 =	simm.s32 $0x1BFF;
	s21 =	sshll.u32 s5, $0x1;
	s2 =	sadd.s32 s19, s18  }
0x9c: {  	s6 =	simm.s32 $0x0;
	s20 =	sshll.u32 s4, $0x1;
	s4 =	sadd.s32 s21, s2  }
0x9d: {  	[timem:s6], [sflag:s22] =	dma.local [hbm:s4], s20  }
0x9e: {  	_ =	swait.ge [sflag:s22], s20  }
0x9f: {  	s3 =	ssub.s32 $0x0, s20;
	[sflag:s22] =	ssyncset.done $0x0  }
0xa0: {  	[sflag:s22] =	ssyncadd.s32 s3;
	_ =	sdelay $0x1  }
0xa1: {  	s23 =	simm.s32 $0x1B8B  }
0xa2: {  	_ =	swait.ge [sflag:s23], $0x1  }
0xa3: {  	[sflag:s23] =	ssyncset.done $0x0  }
0xa4: {  	s25 =	simm.s32 $0x1B8E;
	s24 =	sld [smem:$0x3FFE];
	[sflag:s23] =	ssyncadd.s32 $0xFFFFFFFF  }
0xa5: {  	s26 =	simm.s32 $execute0_lowered;
	[smem:$0x3FD2] =	sst s25  }
0xa6: {  	s4 =	sshll.u32 s26, $0x1;
	_ =	strace $0x80000046;
	[dreg:$0x1] =	wrdreg $0xFFFFFFFF  }
0xa7: {  	s28 =	simm.s32 $_size_execute0_lowered;
	s2 =	sadd.s32 s2, s4;
	[dreg:$0x0] =	wrdreg $0x0  }
0xa8: {  	s4 =	sshll.u32 s28, $0x1;
	[dreg:$0x2] =	wrdreg s2  }
0xa9: {  	[dreg:$0x3] =	wrdreg s4  }
0xaa: {  	[dreg:$0x4] =	wrdreg $0xC0  }
0xab: {  	_ =	task [dreg:s6], $0x5FFFF  }
0xac: {  	[dreg:$0x1] =	wrdreg $0xFFFFFFFF  }
0xad: {  	[dreg:$0x0] =	wrdreg $0x60  }
0xae: {  	[dreg:$0x2] =	wrdreg s24  }
0xaf: {  	[dreg:$0x3] =	wrdreg $0x9  }
0xb0: {  	_ =	task.clear_ibuf [dreg:s6], $0x4FFFF;
	_ =	strace $0x90000046  }
0xb1: {  	s29 =	simm.s32 $0x9;
	_ =	strace $0x80000048  }
0xb2: {  	_ =	swait.ge [sflag:s29], $0x1  }
0xb3: {  	[sflag:s29] =	ssyncadd.s32 $0xFFFFFFFF  }
0xb4: {  	_ =	strace $0x90000048  }
0xb5: {  	_ =	sfence  }
0xb6: {  	s30 =	sld [smem:$0x0];
	_ =	sdelay $0x2  }
0xb7: {  	s31 =	sshll.u32 s1, $0xD;
	s1 =	sshrl.u32 s1, $0x2  }
0xb8: {  	s3 =	sand.u32 $0x4000, s31;
	s1 =	sadd.s32 s1, s30  }
0xb9: {  	s0 =	sor.u32 s3, s0;
	s1 =	sshll.u32 s1, $0x11  }
0xba: {  	s0 =	sor.u32 s1, s0  }
0xbb: {  	s0 =	sadd.s32 $0x8F2B, s0  }
0xbc: {  	[sflag:s0] =	ssyncadd.remote.s32 $0x1  }
0xbd: {  	_ =	sfence.sel $0xFFFF  }
0xbe: {  	[dreg:$0x0] =	wrdreg $0xFFFFFFFF;
	(pc) =	sbr.abs _section_cstart, $3  }
0xbf: {  	[dreg:$0x1] =	wrdreg $0xFFFFFFFF  }
0xc0: {  	_ =	task.clear_ibuf [dreg:s6], $0x2FFFF;
	_ =	strace $0x9FFFFFFF  }
0xc1: {  	(tm) =	ssettm $0x7FFFFFFF  }
tec
execute0_lowered:
.L_overlay_start_1:
0x0: {  	(tag) =	ssettag $0x1  }
0x1: {  	s0 =	srdreg.scid  }
0x2: {  	s4 =	rddreg [dreg:$0x0];
	s3 =	sand.u32 $0x1, s0  }
0x3: {  	s1 =	stileid.u32;
	s7 =	simm.s32 $0x2780;
	s2 =	sshll.u32 s3, $0x4  }
0x4: {  	s0 =	rddreg [dreg:$0x1];
	s3 =	ssub.s32 $0x2, s3;
	s5 =	sor.u32 s1, s2  }
0x5: {  	s2 =	simm.s32 $0x0;
	s6 =	sshrl.u32 s3, $0x1;
	s5 =	smul.u32 $0x4E2, s5  }
0x6: {  	s8 =	simm.s32 $0x0;
	[smem:$0x7FF] =	sst s2;
	s31 =	ssub.s32 s3, s6  }
0x7: {  	s6 =	simm.s32 $0x1;
	_ =	strace $0x80000047;
	s4 =	sadd.s32 s5, s4  }
0x8: {  	v0 =	vimm.f32 $0.0e+00;
	v1 =	vimm.f32 $1.000000000e+00;
	s5 =	smax.u32 s31, $0x1;
	s3 =	sadd.s32 $0xE00, s4;
	s4 =	sadd.s32 $0xAC00, s4  }
.LBB2_1:
0x9: {  	s9 =	simm.s32 $0x40;
	s10 =	simm.s32 $0x0  }
.LBB2_2:
0xa: {  	p0 =	sne.s32 s9, $0x9C00;
	[tilespmem:s10+$0x2780] =	vst v0;
	s10 =	smov.u32 s9;
	s9 =	sadd.s32 $0x40, s9  }
.Ltmp0:
0xb: {  	(pc) =	sbr.rel @p0 .LBB2_2-.Ltmp0, $2  }
0xc: {  	_ =	sdelay $0x2  }
0xd: {  	s10 =	sshra.s32 s10, $0x2  }
0xe: {  	[tilespmem:s10+$0x2780] =	vst v0;
	s9 =	simm.s32 $0x0  }
0xf: {  	[tilespmem:s9], [sflag:$0x1] =	stream.linear.gather [hbm4b:s3+s9], $0x2710, $0x38;
	[tilespmem:$0x4F00] =	vst v63  }
0x10: {  	_ =	swait.ge [sflag:s6], $0x2710  }
0x11: {  	[sflag:s6] =	ssyncset.done $0x0  }
0x12: {  	s10 =	simm.s32 $0x0;
	s9 =	simm.s32 $0x40;
	[sflag:s6] =	ssyncadd.s32 $0xFFFFD8F0  }
.LBB2_4:
0x13: {  	p0 =	sne.s32 s9, $0x9C00;
	v2 =	vld [tilespmem:s10+$0x0];
	_ =	sdelay $0x3  }
.Ltmp1:
0x14: {  	(pc) =	sbr.rel @p0 .LBB2_4-.Ltmp1, $2  }
0x15: {  	_ =	sdelay $0x2  }
0x16: {  	s10 =	sshra.s32 s9, $0x2;
	s9 =	sadd.s32 $0x40, s9;
	[tilespmem:v2+s7+$0x0] =	vst.idx.add.f32.msk $0xffff, v1  }
0x17: {  	v2 =	vld [tilespmem:s10+$0x0];
	_ =	sdelay $0x5  }
0x18: {  	s8 =	sadd.s32 $0x1, s8  }
0x19: {  	p0 =	sne.s32 s8, s5  }
.Ltmp2:
0x1a: {  	[tilespmem:v2+s7+$0x0] =	vst.idx.add.f32.msk $0xffff, v1;
	(pc) =	sbr.rel @p0 .LBB2_1-.Ltmp2, $4  }
0x1b: {  	[hbm4b:s4+s2] =	stream.linear.scatter [tilespmem:s7], [sflag:$0x1], $0x2710, $0x38;
	[tilespmem:$0x4F00] =	vst v63  }
0x1c: {  	_ =	swait.ge [sflag:s6], $0x2710  }
0x1d: {  	[sflag:s6] =	ssyncset.done $0x0  }
0x1e: {  	[sflag:s6] =	ssyncadd.s32 $0xFFFFD8F0  }
0x1f: {  	_ =	sfence.sel $0x180000  }
0x20: {  	[bflag:$0x0] =	sbarrier.arrive $0xFFFF  }
0x21: {  	p0 =	sne.s32 s1, $0x0;
	_ =	strace $0x90000047  }
0x22: {  	s0 =	sadd.s32 @!p0 $0x100000, s0;
	[bflag:$0x2] =	sbarrier.arrive $0xFFFF  }
0x23: {  	[sflag:s0] =	ssyncadd.tile.s32 @!p0 $0x1;
	_ =	shalt  }
.Lfunc_end2:
_tile_overlayer_lowered:
.L_overlay_start_2:
0x24: {  	(tag) =	ssettag $0x2  }
0x25: {  	s0 =	rddreg [dreg:$0x0];
	s2 =	stileid.u32  }
0x26: {  	s1 =	rddreg [dreg:$0x1];
	p0 =	sne.s32 s2, $0x0  }
0x27: {  	s3 =	rddreg [dreg:$0x2];
	[bflag:$0x3] =	sbarrier.arrive $0xFFFF;
	s2 =	simm.s32 @!p0 $0x1C01  }
0x28: {  	[timem:s3], [sflag:s2] =	dma.local @!p0 [hbm:s0], s1  }
0x29: {  	s0 =	simm.s32 @!p0 $0x1  }
0x2a: {  	_ =	swait.ge @!p0 [sflag:s0], s1  }
0x2b: {  	s1 =	ssub.s32 @!p0 $0x0, s1;
	[sflag:s0] =	ssyncset.done @!p0 $0x0  }
0x2c: {  	[sflag:s0] =	ssyncadd.s32 @!p0 s1  }
0x2d: {  	[bflag:$0x3] =	sbarrier.arrive $0xFFFF  }
0x2e: {  	_ =	shalt  }

// kernel: kernel.9.cloned.1.call-start
scs
__scs_entry_jumppad:
0x0: {  	(pc) =	sbr.rel $0x88, $3  }
0x1: {  	(tag) =	ssettag $0x0;
	lr =	simm.s32 $0x1  }
0x2: {  	[smem:$0x3F9D] =	sst lr;
	_ =	strace $0xD0000000  }
0x3: {  	_ = 	snop  }
0x4: {  	_ = 	snop  }
0x5: {  	_ = 	snop  }
0x6: {  	_ = 	snop  }
0x7: {  	_ = 	snop  }
__scs_overlays_trampoline_lowered:
0x8: {  	[smem:$0x3FAC] =	sst s0  }
0x9: {  	[smem:$0x3FAD] =	sst s1  }
0xa: {  	[smem:$0x3FAE] =	sst s2  }
0xb: {  	[smem:$0x3FAF] =	sst s3  }
0xc: {  	[smem:$0x3FB0] =	sst s4  }
0xd: {  	[smem:$0x3FB1] =	sst s5  }
0xe: {  	[smem:$0x3FB2] =	sst s6  }
0xf: {  	[smem:$0x3FB3] =	sst s7  }
0x10: {  	[smem:$0x3FB4] =	sst s8  }
0x11: {  	[smem:$0x3FB5] =	sst s9;
	s0 =	simm.s32 @!p0 $0x0  }
0x12: {  	s1 =	sld [smem:$0x3F9B];
	s0 =	simm.s32 @p0 $0x1  }
0x13: {  	[smem:$0x3FB6] =	sst s0;
	s0 =	simm.s32 @!p1 $0x0  }
0x14: {  	s2 =	sld [smem:$0x3F9A];
	s0 =	simm.s32 @p1 $0x1  }
0x15: {  	[smem:$0x3FB7] =	sst s0;
	s0 =	simm.s32 @!p2 $0x0  }
0x16: {  	s3 =	sld [smem:$0x3FDB];
	s0 =	simm.s32 @p2 $0x1  }
0x17: {  	s4 =	simm.s32 $0x1BF5;
	[smem:$0x3FB9] =	sst s0  }
0x18: {  	s0 =	sld [smem:$0x3F9C];
	_ =	swait.ge [sflag:s4], $0x0  }
0x19: {  	s7 =	sld [smem:$0x3F9D]  }
0x1a: {  	s8 =	sadd.s32 $0xFFFFE003, lr  }
0x1b: {  	s9 =	sadd.s32 $0xFFFFFEF7, lr;
	s5 =	simm.s32 $0xFFFFFFFF;
	p2 =	slt.u32 s8, $0xFFFFF086  }
0x1c: {  	p1 =	slt.u32 s9, $0xF7A;
	s5 =	simm.s32 @!p2 $0x0  }
0x1d: {  	s5 =	simm.s32 @p1 $0x1;
	p0 =	seq.s32 s7, s2  }
0x1e: {  	s7 =	smul.u32 @!p0 $0xF7A, s2;
	p2 =	seq.s32 @!p0 s5, $0x0  }
0x1f: {  	s9 =	smul.u32 $0xF7A, s1;
	s8 =	simm.s32 @!p0 $0x1BF5;
	p2 =	por !p2, p0  }
0x20: {  	[sflag:s8] =	ssyncset.s32 @!p0 $0xFFFFF086;
	s6 =	sadd.s32 @!p0 s3, s7;
	s7 =	simm.s32 @!p0 $0x108  }
0x21: {  	s3 =	sadd.s32 s3, s9;
	s6 =	sadd.s32 @!p0 $0x88, s6;
	s7 =	simm.s32 @p2 $0x1082  }
0x22: {  	[simem:s7], [sflag:s8] =	dma.local @!p0 [hbm:s6], $0xF7A  }
0x23: {  	s9 =	sor.u32 $0xD0000000, s2;
	s6 =	simm.s32 $0x108;
	_ =	swait.ge @!p0 [sflag:s8], $0x0  }
0x24: {  	s3 =	sadd.s32 $0x88, s3;
	s6 =	simm.s32 @!p1 $0x1082;
	[sflag:s4] =	ssyncset.s32 $0xFFFFF086  }
0x25: {  	[simem:s6], [sflag:s4] =	dma.local [hbm:s3], $0xF7A  }
0x26: {  	[smem:$0x3F9D] =	sst s1;
	(tag) =	ssettag s2;
	_ =	strace s9  }
0x27: {  	s1 =	sld [smem:$0x3FAD]  }
0x28: {  	s2 =	sld [smem:$0x3FAE]  }
0x29: {  	s4 =	sld [smem:$0x3FB0]  }
0x2a: {  	p0 =	seq.s32 s5, $0x0;
	s5 =	sld [smem:$0x3FB1]  }
0x2b: {  	s6 =	sld [smem:$0x3FB2]  }
0x2c: {  	s7 =	sld [smem:$0x3FB3]  }
0x2d: {  	s3 =	simm.s32 $0x108;
	s8 =	sld [smem:$0x3FB4]  }
0x2e: {  	s3 =	simm.s32 @!p0 $0x1082;
	s9 =	sld [smem:$0x3FB5]  }
0x2f: {  	lr =	sadd.s32 s0, s3;
	s0 =	sld [smem:$0x3FAC]  }
0x30: {  	s3 =	sld [smem:$0x3FAF]  }
0x31: {  	[smem:$0x3FB8] =	sst s10  }
0x32: {  	s10 =	sld [smem:$0x3FB6];
	_ =	sdelay $0x3  }
0x33: {  	p0 =	seq.s32 s10, $0x1;
	s10 =	sld [smem:$0x3FB8];
	_ =	sdelay $0x3  }
0x34: {  	[smem:$0x3FB8] =	sst s10  }
0x35: {  	s10 =	sld [smem:$0x3FB7];
	_ =	sdelay $0x3  }
0x36: {  	p1 =	seq.s32 s10, $0x1;
	s10 =	sld [smem:$0x3FB8];
	_ =	sdelay $0x3  }
0x37: {  	[smem:$0x3FB8] =	sst s10  }
0x38: {  	s10 =	sld [smem:$0x3FB9]  }
0x39: {  	_ = 	snop;
	(pc) =	sbr.ind lr, $3  }
0x3a: {  	_ = 	snop  }
0x3b: {  	_ = 	snop  }
0x3c: {  	p2 =	seq.s32 s10, $0x1;
	s10 =	sld [smem:$0x3FB8]  }
0x3d: {  	_ =	shalt  }
0x3e: {  	_ =	shalt  }
0x3f: {  	_ =	shalt  }
0x40: {  	_ =	shalt  }
0x41: {  	_ =	shalt  }
0x42: {  	_ =	shalt  }
0x43: {  	_ =	shalt  }
0x44: {  	_ =	shalt  }
0x45: {  	_ =	shalt  }
0x46: {  	_ =	shalt  }
0x47: {  	_ =	shalt  }
0x48: {  	_ =	shalt  }
0x49: {  	_ =	shalt  }
0x4a: {  	_ =	shalt  }
0x4b: {  	_ =	shalt  }
0x4c: {  	_ =	shalt  }
0x4d: {  	_ =	shalt  }
0x4e: {  	_ =	shalt  }
0x4f: {  	_ =	shalt  }
0x50: {  	_ =	shalt  }
0x51: {  	_ =	shalt  }
0x52: {  	_ =	shalt  }
0x53: {  	_ =	shalt  }
0x54: {  	_ =	shalt  }
0x55: {  	_ =	shalt  }
0x56: {  	_ =	shalt  }
0x57: {  	_ =	shalt  }
0x58: {  	_ =	shalt  }
0x59: {  	_ =	shalt  }
0x5a: {  	_ =	shalt  }
0x5b: {  	_ =	shalt  }
0x5c: {  	_ =	shalt  }
0x5d: {  	_ =	shalt  }
0x5e: {  	_ =	shalt  }
0x5f: {  	_ =	shalt  }
0x60: {  	_ =	shalt  }
0x61: {  	_ =	shalt  }
0x62: {  	_ =	shalt  }
0x63: {  	_ =	shalt  }
0x64: {  	_ =	shalt  }
0x65: {  	_ =	shalt  }
0x66: {  	_ =	shalt  }
0x67: {  	_ =	shalt  }
0x68: {  	_ =	shalt  }
0x69: {  	_ =	shalt  }
0x6a: {  	_ =	shalt  }
0x6b: {  	_ =	shalt  }
0x6c: {  	_ =	shalt  }
0x6d: {  	_ =	shalt  }
0x6e: {  	_ =	shalt  }
0x6f: {  	_ =	shalt  }
0x70: {  	_ =	shalt  }
0x71: {  	_ =	shalt  }
0x72: {  	_ =	shalt  }
0x73: {  	_ =	shalt  }
0x74: {  	_ =	shalt  }
0x75: {  	_ =	shalt  }
0x76: {  	_ =	shalt  }
0x77: {  	_ =	shalt  }
0x78: {  	_ =	shalt  }
0x79: {  	_ =	shalt  }
0x7a: {  	_ =	shalt  }
0x7b: {  	_ =	shalt  }
0x7c: {  	_ =	shalt  }
0x7d: {  	_ =	shalt  }
0x7e: {  	_ =	shalt  }
0x7f: {  	_ =	shalt  }
0x80: {  	_ =	shalt  }
0x81: {  	_ =	shalt  }
0x82: {  	_ =	shalt  }
0x83: {  	_ =	shalt  }
0x84: {  	_ =	shalt  }
0x85: {  	_ =	shalt  }
0x86: {  	_ =	shalt  }
0x87: {  	_ =	shalt  }
.Lfunc_end0:
.L_simem_size_0:
called_computation.1_lowered:
.L_overlay_start_0:
0x88: {  	s2 =	sld [smem:$0x3FD9]  }
0x89: {  	s3 =	sld [smem:$0x3FFE];
	_ =	sdelay $0x1  }
0x8a: {  	s1 =	srdreg.scid  }
0x8b: {  	s0 =	sand.u32 $0x1, s1  }
0x8c: {  	s17 =	sshll.u32 s0, $0xA;
	s2 =	sadd.s32 s3, s2  }
0x8d: {  	s2 =	sadd.s32 s2, s17  }
0x8e: {  	[smem:$0x3FC4] =	sst s2  }
0x8f: {  	_ = 	snop  }
0x90: {  	s2 =	sld [smem:$0x3FD0];
	(tm) =	ssettm $0x1  }
0x91: {  	s18 =	sld [smem:$0x3FFB];
	_ =	sdelay $0x3  }
0x92: {  	_ =	strace s18  }
0x93: {  	s3 =	sld [smem:$0x3FFC];
	_ =	sdelay $0x3  }
0x94: {  	_ =	strace s3  }
0x95: {  	s3 =	sld [smem:$0x3FFD];
	_ =	sdelay $0x3  }
0x96: {  	_ =	strace s3  }
0x97: {  	_ =	strace $0x8FFFFFFF  }
0x98: {  	s19 =	sld [smem:$0x3FDB];
	_ =	sdelay $0x1  }
0x99: {  	s4 =	simm.s32 $_scs_section_size  }
0x9a: {  	s5 =	simm.s32 $_size__tile_overlayer_lowered;
	s6 =	simm.s32 $_tile_overlayer_lowered  }
0x9b: {  	s22 =	simm.s32 $0x1BFF;
	s21 =	sshll.u32 s6, $0x1;
	s3 =	sadd.s32 s4, s19  }
0x9c: {  	s7 =	simm.s32 $0x0;
	s20 =	sshll.u32 s5, $0x1;
	s5 =	sadd.s32 s21, s3  }
0x9d: {  	[timem:s7], [sflag:s22] =	dma.local [hbm:s5], s20  }
0x9e: {  	_ =	swait.ge [sflag:s22], s20  }
0x9f: {  	s4 =	ssub.s32 $0x0, s20;
	[sflag:s22] =	ssyncset.done $0x0  }
0xa0: {  	[sflag:s22] =	ssyncadd.s32 s4;
	_ =	sdelay $0x1  }
0xa1: {  	s23 =	simm.s32 $0x1B8B  }
0xa2: {  	_ =	swait.ge [sflag:s23], $0x1  }
0xa3: {  	[sflag:s23] =	ssyncset.done $0x0  }
0xa4: {  	s25 =	simm.s32 $0x1B8E;
	s24 =	sld [smem:$0x3FFE];
	[sflag:s23] =	ssyncadd.s32 $0xFFFFFFFF  }
0xa5: {  	s26 =	simm.s32 $execute0_lowered;
	[smem:$0x3FD2] =	sst s25  }
0xa6: {  	s5 =	sshll.u32 s26, $0x1;
	_ =	strace $0x80000049;
	[dreg:$0x1] =	wrdreg $0xFFFFFFFF  }
0xa7: {  	s28 =	simm.s32 $_size_execute0_lowered;
	s3 =	sadd.s32 s3, s5;
	[dreg:$0x0] =	wrdreg $0x0  }
0xa8: {  	s5 =	sshll.u32 s28, $0x1;
	[dreg:$0x2] =	wrdreg s3  }
0xa9: {  	[dreg:$0x3] =	wrdreg s5  }
0xaa: {  	[dreg:$0x4] =	wrdreg $0xC0  }
0xab: {  	_ =	task [dreg:s7], $0x5FFFF  }
0xac: {  	[dreg:$0x1] =	wrdreg $0xFFFFFFFF  }
0xad: {  	[dreg:$0x0] =	wrdreg $0x60  }
0xae: {  	[dreg:$0x2] =	wrdreg s2  }
0xaf: {  	[dreg:$0x3] =	wrdreg s24  }
0xb0: {  	[dreg:$0x4] =	wrdreg $0xA8000  }
0xb1: {  	[dreg:$0x5] =	wrdreg $0x9  }
0xb2: {  	_ =	task.clear_ibuf [dreg:s7], $0x6FFFF;
	_ =	strace $0x90000049  }
0xb3: {  	s29 =	simm.s32 $0x9;
	_ =	strace $0x8000004B  }
0xb4: {  	_ =	swait.ge [sflag:s29], $0x1  }
0xb5: {  	[sflag:s29] =	ssyncadd.s32 $0xFFFFFFFF  }
0xb6: {  	_ =	strace $0x9000004B  }
0xb7: {  	_ =	sfence  }
0xb8: {  	s30 =	sld [smem:$0x0];
	_ =	sdelay $0x2  }
0xb9: {  	s31 =	sshll.u32 s1, $0xD;
	s1 =	sshrl.u32 s1, $0x2  }
0xba: {  	s3 =	sand.u32 $0x4000, s31;
	s1 =	sadd.s32 s1, s30  }
0xbb: {  	s0 =	sor.u32 s3, s0;
	s1 =	sshll.u32 s1, $0x11  }
0xbc: {  	s0 =	sor.u32 s1, s0  }
0xbd: {  	s0 =	sadd.s32 $0x8F2B, s0  }
0xbe: {  	[sflag:s0] =	ssyncadd.remote.s32 $0x1  }
0xbf: {  	_ =	sfence.sel $0xFFFF  }
0xc0: {  	[dreg:$0x0] =	wrdreg $0xFFFFFFFF;
	(pc) =	sbr.abs _section_cstart, $3  }
0xc1: {  	[dreg:$0x1] =	wrdreg $0xFFFFFFFF  }
0xc2: {  	_ =	task.clear_ibuf [dreg:s7], $0x2FFFF;
	_ =	strace $0x9FFFFFFF  }
0xc3: {  	(tm) =	ssettm $0x7FFFFFFF  }
tec
execute0_lowered:
.L_overlay_start_1:
0x0: {  	(tag) =	ssettag $0x1  }
0x1: {  	s0 =	rddreg [dreg:$0x0]  }
0x2: {  	s2 =	rddreg [dreg:$0x1]  }
0x3: {  	s1 =	rddreg [dreg:$0x2];
	s3 =	simm.s32 $0x0  }
0x4: {  	s5 =	srdreg.scid;
	s7 =	stileid.u32;
	s28 =	simm.s32 $0x1380  }
0x5: {  	s29 =	simm.s32 $0x2700;
	s30 =	simm.s32 $0x2780;
	s31 =	simm.s32 $0x0  }
0x6: {  	[smem:$0x7FF] =	sst s3;
	s3 =	sand.u32 $0x1, s5;
	s13 =	sadd.s32 $0x14A00, s2  }
0x7: {  	s4 =	sadd.s32 $0x1EA00, s2;
	s2 =	sadd.s32 $0x45C00, s2;
	s9 =	sshll.u32 s7, $0x7  }
0x8: {  	s12 =	sshll.u32 s7, $0xE;
	_ =	strace $0x8000004A;
	s5 =	ssub.s32 $0x2, s3  }
0x9: {  	s14 =	sor.u32 $0x800, s9;
	s16 =	sor.u32 $0x1000, s9;
	s17 =	sor.u32 $0x1800, s9  }
0xa: {  	s18 =	sor.u32 $0x2000, s9;
	s20 =	smul.u32 $0x2800, s3;
	s6 =	sshrl.u32 s5, $0x1  }
0xb: {  	s10 =	sshll.u32 s16, $0x7;
	s9 =	sshll.u32 s18, $0x7;
	s19 =	ssub.s32 s5, s6  }
0xc: {  	s6 =	sshll.u32 s3, $0x4;
	s5 =	sadd.s32 s12, s1;
	s3 =	smul.u32 $0x140000, s3  }
0xd: {  	s9 =	sadd.s32 s9, s1;
	s24 =	sadd.s32 s20, s16;
	s25 =	sadd.s32 s20, s17  }
0xe: {  	s26 =	sadd.s32 s20, s18;
	s8 =	sor.u32 s7, s6;
	s7 =	sshll.u32 s14, $0x7  }
0xf: {  	s14 =	sadd.s32 s20, s14;
	s18 =	sshll.u32 s26, $0x4;
	s19 =	smax.u32 s19, $0x1  }
0x10: {  	s20 =	simm.s32 $0x2800;
	s26 =	simm.s32 $0x2;
	s6 =	sadd.s32 s7, s1  }
0x11: {  	s7 =	sadd.s32 s10, s1;
	s10 =	sshll.u32 s17, $0x7;
	s11 =	smul.u32 $0x2800, s8  }
0x12: {  	s3 =	sor.u32 s3, s12;
	s23 =	sshll.u32 s14, $0x4;
	s18 =	sadd.s32 s2, s18  }
0x13: {  	s8 =	sadd.s32 s10, s1;
	s22 =	sshrl.u32 s3, $0x3;
	s3 =	sshll.u32 s25, $0x4  }
0x14: {  	s25 =	simm.s32 $0x1;
	s15 =	sshrl.u32 s11, $0x3;
	s14 =	sadd.s32 s2, s22  }
0x15: {  	s17 =	sadd.s32 s2, s3;
	s22 =	simm.s32 $0x1400;
	s11 =	sadd.s32 s0, s15  }
0x16: {  	s21 =	sadd.s32 s13, s15;
	s15 =	sadd.s32 $0x280, s15;
	[dreg:$0x4] =	wrdreg s11  }
0x17: {  	[dreg:$0x5] =	wrdreg s21;
	s12 =	sadd.s32 s0, s15;
	s13 =	sadd.s32 s13, s15  }
0x18: {  	s15 =	sadd.s32 s2, s23;
	s0 =	sshll.u32 s24, $0x4;
	s21 =	simm.s32 $0x3  }
0x19: {  	v0 =	vimm.f32 $0.0e+00;
	s23 =	simm.s32 $0x80;
	s24 =	simm.s32 $0x6800;
	s16 =	sadd.s32 s2, s0  }
.LBB2_1:
0x1a: {  	s2 =	simm.s32 $0x0  }
0x1b: {  	s0 =	sand.u32 $0xFE00, s2  }
0x1c: {  	s2 =	sand.u32 $0x70, s2;
	s3 =	sshrl.u32 s0, $0x2  }
0x1d: {  	s0 =	simm.s32 $0x40;
	s2 =	sor.u32 s2, s3;
	s3 =	simm.s32 $0x0  }
.LBB2_2:
0x1e: {  	p0 =	sne.s32 s0, $0xFFC0  }
0x1f: {  	[tilespmem:s2+$0x2800] =	vst v0;
	s3 =	sadd.s32 $0x10, s3;
	s2 =	smov.u32 s0;
	s0 =	sadd.s32 $0x40, s0  }
.Ltmp0:
0x20: {  	(pc) =	sbr.rel @p0 .LBB2_2-.Ltmp0, $4  }
0x21: {  	_ = 	snop  }
0x22: {  	s2 =	sand.u32 $0xFE00, s2  }
0x23: {  	s10 =	sand.u32 $0x70, s3;
	s2 =	sshrl.u32 s2, $0x2  }
0x24: {  	s2 =	sor.u32 s10, s2  }
0x25: {  	[tilespmem:s2+$0x2800] =	vst v0  }
0x26: {  	[spmem:s5] =	stream.linear.scatter [tilespmem:s20], [sflag:$0x3], $0x4000, $0x38;
	[tilespmem:$0x1E800] =	vst v63  }
0x27: {  	_ =	swait.ge [sflag:s21], $0x4000  }
0x28: {  	[sflag:s21] =	ssyncset.done $0x0  }
0x29: {  	[sflag:s21] =	ssyncadd.s32 $0xFFFFC000  }
0x2a: {  	[spmem:s6] =	stream.linear.scatter [tilespmem:s20], [sflag:$0x3], $0x4000, $0x38;
	[tilespmem:$0x1E800] =	vst v63  }
0x2b: {  	_ =	swait.ge [sflag:s21], $0x4000  }
0x2c: {  	[sflag:s21] =	ssyncset.done $0x0  }
0x2d: {  	[sflag:s21] =	ssyncadd.s32 $0xFFFFC000  }
0x2e: {  	[spmem:s7] =	stream.linear.scatter [tilespmem:s20], [sflag:$0x3], $0x4000, $0x38;
	[tilespmem:$0x1E800] =	vst v63  }
0x2f: {  	_ =	swait.ge [sflag:s21], $0x4000  }
0x30: {  	[sflag:s21] =	ssyncset.done $0x0  }
0x31: {  	[sflag:s21] =	ssyncadd.s32 $0xFFFFC000  }
0x32: {  	[spmem:s8] =	stream.linear.scatter [tilespmem:s20], [sflag:$0x3], $0x4000, $0x38;
	[tilespmem:$0x1E800] =	vst v63  }
0x33: {  	_ =	swait.ge [sflag:s21], $0x4000  }
0x34: {  	[sflag:s21] =	ssyncset.done $0x0  }
0x35: {  	[sflag:s21] =	ssyncadd.s32 $0xFFFFC000  }
0x36: {  	[spmem:s9] =	stream.linear.scatter [tilespmem:s20], [sflag:$0x3], $0x4000, $0x38;
	[tilespmem:$0x1E800] =	vst v63  }
0x37: {  	_ =	swait.ge [sflag:s21], $0x4000  }
0x38: {  	[sflag:s21] =	ssyncset.done $0x0  }
0x39: {  	[sflag:s21] =	ssyncadd.s32 $0xFFFFC000  }
0x3a: {  	[bflag:$0x0] =	sbarrier.arrive $0xFFFF  }
0x3b: {  	s0 =	simm.s32 $0x0;
	s10 =	rddreg [dreg:$0x4]  }
0x3c: {  	[tilespmem:s0], [sflag:$0x3] =	stream.linear.gather [hbm4b:s10+s0], $0x1400, $0x38;
	[tilespmem:$0x1E800] =	vst v63  }
0x3d: {  	_ =	swait.ge [sflag:s21], $0x1400  }
0x3e: {  	[sflag:s21] =	ssyncset.done $0x0  }
0x3f: {  	s11 =	rddreg [dreg:$0x5];
	[sflag:s21] =	ssyncadd.s32 $0xFFFFEC00  }
0x40: {  	[tilespmem:s22], [sflag:$0x3] =	stream.linear.gather [hbm4b:s11+s0], $0x1400, $0x38;
	[tilespmem:$0x1E800] =	vst v63  }
0x41: {  	_ =	swait.ge [sflag:s21], $0x1400  }
0x42: {  	[sflag:s21] =	ssyncset.done $0x0  }
0x43: {  	[sflag:s21] =	ssyncadd.s32 $0xFFFFEC00  }
0x44: {  	[tilespmem:s20], [sflag:$0x1] =	stream.indirect.gather [hbm4b:s4+s23], $0x80, s0, s23, $0xb8;
	[tilespmem:$0x1E800] =	vst v63  }
0x45: {  	s2 =	simm.s32 $0x80  }
0x46: {  	[tilespmem:s24], [sflag:$0x2] =	stream.indirect.gather [hbm4b:s4+s23], $0x80, s2, s23, $0xb8;
	[tilespmem:$0x1E800] =	vst v63  }
0x47: {  	_ =	swait.ge [sflag:s25], $0x4000  }
0x48: {  	[sflag:s25] =	ssyncset.done $0x0  }
0x49: {  	s3 =	simm.s32 $0x1400;
	[sflag:s25] =	ssyncadd.s32 $0xFFFFC000  }
0x4a: {  	[spmem:s1] =	stream.indirect.scatter.add.f32 [tilespmem:s20], [sflag:$0x3], $0x80, s3, s23, $0xb8;
	[tilespmem:$0x1E800] =	vst v63  }
0x4b: {  	_ =	swait.ge [sflag:s21], $0x4000  }
0x4c: {  	[sflag:s21] =	ssyncset.done $0x0  }
0x4d: {  	s10 =	simm.s32 $0x100;
	[sflag:s21] =	ssyncadd.s32 $0xFFFFC000  }
0x4e: {  	[tilespmem:s20], [sflag:$0x1] =	stream.indirect.gather [hbm4b:s4+s23], $0x80, s10, s23, $0xb8;
	[tilespmem:$0x1E800] =	vst v63  }
0x4f: {  	_ =	swait.ge [sflag:s26], $0x4000  }
0x50: {  	[sflag:s26] =	ssyncset.done $0x0  }
0x51: {  	s11 =	simm.s32 $0x1480;
	[sflag:s26] =	ssyncadd.s32 $0xFFFFC000  }
0x52: {  	[spmem:s1] =	stream.indirect.scatter.add.f32 [tilespmem:s24], [sflag:$0x3], $0x80, s11, s23, $0xb8;
	[tilespmem:$0x1E800] =	vst v63  }
0x53: {  	_ =	swait.ge [sflag:s21], $0x4000  }
0x54: {  	s0 =	simm.s32 $0x100;
	s3 =	simm.s32 $0x800;
	[sflag:s21] =	ssyncset.done $0x0  }
.LBB2_4:
0x55: {  	s2 =	sadd.s32 $0x80, s0  }
0x56: {  	[sflag:s21] =	ssyncadd.s32 $0xFFFFC000;
	s10 =	smov.u32 s3;
	s11 =	sadd.s32 $0x400, s3  }
0x57: {  	[tilespmem:s24], [sflag:$0x2] =	stream.indirect.gather [hbm4b:s4+s23], $0x80, s2, s23, $0xb8;
	[tilespmem:$0x1E800] =	vst v63  }
0x58: {  	p0 =	sne.s32 s3, $0x4800;
	_ =	swait.ge [sflag:s25], $0x4000  }
0x59: {  	[sflag:s25] =	ssyncset.done $0x0  }
0x5a: {  	s2 =	sadd.s32 $0x1400, s0;
	[sflag:s25] =	ssyncadd.s32 $0xFFFFC000  }
0x5b: {  	[spmem:s1] =	stream.indirect.scatter.add.f32 [tilespmem:s20], [sflag:$0x3], $0x80, s2, s23, $0xb8;
	[tilespmem:$0x1E800] =	vst v63  }
0x5c: {  	_ =	swait.ge [sflag:s21], $0x4000  }
0x5d: {  	[sflag:s21] =	ssyncset.done $0x0  }
0x5e: {  	s2 =	sadd.s32 $0x100, s0;
	[sflag:s21] =	ssyncadd.s32 $0xFFFFC000  }
0x5f: {  	[tilespmem:s20], [sflag:$0x1] =	stream.indirect.gather [hbm4b:s4+s23], $0x80, s2, s23, $0xb8;
	[tilespmem:$0x1E800] =	vst v63  }
0x60: {  	_ =	swait.ge [sflag:s26], $0x4000  }
.Ltmp1:
0x61: {  	[sflag:s26] =	ssyncset.done $0x0;
	(pc) =	sbr.rel @p0 .LBB2_4-.Ltmp1, $4  }
0x62: {  	s0 =	sadd.s32 $0x1480, s0;
	[sflag:s26] =	ssyncadd.s32 $0xFFFFC000  }
0x63: {  	[spmem:s1] =	stream.indirect.scatter.add.f32 [tilespmem:s24], [sflag:$0x3], $0x80, s0, s23, $0xb8;
	[tilespmem:$0x1E800] =	vst v63  }
0x64: {  	_ =	swait.ge [sflag:s21], $0x4000  }
0x65: {  	s3 =	smov.u32 s11;
	s0 =	sshra.s32 s10, $0x2;
	[sflag:s21] =	ssyncset.done $0x0  }
0x66: {  	s2 =	sadd.s32 $0x80, s0;
	[sflag:s21] =	ssyncadd.s32 $0xFFFFC000  }
0x67: {  	[tilespmem:s24], [sflag:$0x2] =	stream.indirect.gather [hbm4b:s4+s23], $0x80, s2, s23, $0xb8;
	[tilespmem:$0x1E800] =	vst v63  }
0x68: {  	_ =	swait.ge [sflag:s25], $0x4000  }
0x69: {  	[sflag:s25] =	ssyncset.done $0x0  }
0x6a: {  	s11 =	sadd.s32 $0x1400, s0;
	[sflag:s25] =	ssyncadd.s32 $0xFFFFC000  }
0x6b: {  	[spmem:s1] =	stream.indirect.scatter.add.f32 [tilespmem:s20], [sflag:$0x3], $0x80, s11, s23, $0xb8;
	[tilespmem:$0x1E800] =	vst v63  }
0x6c: {  	_ =	swait.ge [sflag:s21], $0x4000  }
0x6d: {  	[sflag:s21] =	ssyncset.done $0x0  }
0x6e: {  	s3 =	sadd.s32 $0x100, s0;
	[sflag:s21] =	ssyncadd.s32 $0xFFFFC000  }
0x6f: {  	[tilespmem:s20], [sflag:$0x1] =	stream.indirect.gather [hbm4b:s4+s23], $0x80, s3, s23, $0xb8;
	[tilespmem:$0x1E800] =	vst v63  }
0x70: {  	_ =	swait.ge [sflag:s26], $0x4000  }
0x71: {  	[sflag:s26] =	ssyncset.done $0x0  }
0x72: {  	s10 =	sadd.s32 $0x1480, s0;
	[sflag:s26] =	ssyncadd.s32 $0xFFFFC000  }
0x73: {  	[spmem:s1] =	stream.indirect.scatter.add.f32 [tilespmem:s24], [sflag:$0x3], $0x80, s10, s23, $0xb8;
	[tilespmem:$0x1E800] =	vst v63  }
0x74: {  	_ =	swait.ge [sflag:s21], $0x4000  }
0x75: {  	[sflag:s21] =	ssyncset.done $0x0  }
0x76: {  	[sflag:s21] =	ssyncadd.s32 $0xFFFFC000  }
0x77: {  	[tilespmem:s24], [sflag:$0x2] =	stream.indirect.gather [hbm4b:s4+s23], $0x80, s28, s23, $0xb8;
	[tilespmem:$0x1E800] =	vst v63  }
0x78: {  	_ =	swait.ge [sflag:s25], $0x4000  }
0x79: {  	[sflag:s25] =	ssyncset.done $0x0  }
0x7a: {  	[sflag:s25] =	ssyncadd.s32 $0xFFFFC000  }
0x7b: {  	[spmem:s1] =	stream.indirect.scatter.add.f32 [tilespmem:s20], [sflag:$0x3], $0x80, s29, s23, $0xb8;
	[tilespmem:$0x1E800] =	vst v63  }
0x7c: {  	_ =	swait.ge [sflag:s21], $0x4000  }
0x7d: {  	[sflag:s21] =	ssyncset.done $0x0  }
0x7e: {  	[sflag:s21] =	ssyncadd.s32 $0xFFFFC000  }
0x7f: {  	_ =	swait.ge [sflag:s26], $0x4000  }
0x80: {  	[sflag:s26] =	ssyncset.done $0x0  }
0x81: {  	[sflag:s26] =	ssyncadd.s32 $0xFFFFC000  }
0x82: {  	[spmem:s1] =	stream.indirect.scatter.add.f32 [tilespmem:s24], [sflag:$0x3], $0x80, s30, s23, $0xb8;
	[tilespmem:$0x1E800] =	vst v63  }
0x83: {  	_ =	swait.ge [sflag:s21], $0x4000  }
0x84: {  	[sflag:s21] =	ssyncset.done $0x0  }
0x85: {  	s11 =	simm.s32 $0x0;
	[sflag:s21] =	ssyncadd.s32 $0xFFFFC000  }
0x86: {  	[tilespmem:s11], [sflag:$0x3] =	stream.linear.gather [hbm4b:s12+s11], $0x1400, $0x38;
	[tilespmem:$0x1E800] =	vst v63  }
0x87: {  	_ =	swait.ge [sflag:s21], $0x1400  }
0x88: {  	[sflag:s21] =	ssyncset.done $0x0  }
0x89: {  	[sflag:s21] =	ssyncadd.s32 $0xFFFFEC00  }
0x8a: {  	[tilespmem:s22], [sflag:$0x3] =	stream.linear.gather [hbm4b:s13+s11], $0x1400, $0x38;
	[tilespmem:$0x1E800] =	vst v63  }
0x8b: {  	_ =	swait.ge [sflag:s21], $0x1400  }
0x8c: {  	[sflag:s21] =	ssyncset.done $0x0  }
0x8d: {  	[sflag:s21] =	ssyncadd.s32 $0xFFFFEC00  }
0x8e: {  	[tilespmem:s20], [sflag:$0x1] =	stream.indirect.gather [hbm4b:s4+s23], $0x80, s11, s23, $0xb8;
	[tilespmem:$0x1E800] =	vst v63  }
0x8f: {  	s2 =	simm.s32 $0x80  }
0x90: {  	[tilespmem:s24], [sflag:$0x2] =	stream.indirect.gather [hbm4b:s4+s23], $0x80, s2, s23, $0xb8;
	[tilespmem:$0x1E800] =	vst v63  }
0x91: {  	_ =	swait.ge [sflag:s25], $0x4000  }
0x92: {  	[sflag:s25] =	ssyncset.done $0x0  }
0x93: {  	s3 =	simm.s32 $0x1400;
	[sflag:s25] =	ssyncadd.s32 $0xFFFFC000  }
0x94: {  	[spmem:s1] =	stream.indirect.scatter.add.f32 [tilespmem:s20], [sflag:$0x3], $0x80, s3, s23, $0xb8;
	[tilespmem:$0x1E800] =	vst v63  }
0x95: {  	_ =	swait.ge [sflag:s21], $0x4000  }
0x96: {  	[sflag:s21] =	ssyncset.done $0x0  }
0x97: {  	s10 =	simm.s32 $0x100;
	[sflag:s21] =	ssyncadd.s32 $0xFFFFC000  }
0x98: {  	[tilespmem:s20], [sflag:$0x1] =	stream.indirect.gather [hbm4b:s4+s23], $0x80, s10, s23, $0xb8;
	[tilespmem:$0x1E800] =	vst v63  }
0x99: {  	_ =	swait.ge [sflag:s26], $0x4000  }
0x9a: {  	[sflag:s26] =	ssyncset.done $0x0  }
0x9b: {  	s11 =	simm.s32 $0x1480;
	[sflag:s26] =	ssyncadd.s32 $0xFFFFC000  }
0x9c: {  	[spmem:s1] =	stream.indirect.scatter.add.f32 [tilespmem:s24], [sflag:$0x3], $0x80, s11, s23, $0xb8;
	[tilespmem:$0x1E800] =	vst v63  }
0x9d: {  	_ =	swait.ge [sflag:s21], $0x4000  }
0x9e: {  	s0 =	simm.s32 $0x100;
	s3 =	simm.s32 $0x800;
	[sflag:s21] =	ssyncset.done $0x0  }
.LBB2_6:
0x9f: {  	s2 =	sadd.s32 $0x80, s0  }
0xa0: {  	[sflag:s21] =	ssyncadd.s32 $0xFFFFC000;
	s10 =	smov.u32 s3;
	s11 =	sadd.s32 $0x400, s3  }
0xa1: {  	[tilespmem:s24], [sflag:$0x2] =	stream.indirect.gather [hbm4b:s4+s23], $0x80, s2, s23, $0xb8;
	[tilespmem:$0x1E800] =	vst v63  }
0xa2: {  	p0 =	sne.s32 s3, $0x4800;
	_ =	swait.ge [sflag:s25], $0x4000  }
0xa3: {  	[sflag:s25] =	ssyncset.done $0x0  }
0xa4: {  	s2 =	sadd.s32 $0x1400, s0;
	[sflag:s25] =	ssyncadd.s32 $0xFFFFC000  }
0xa5: {  	[spmem:s1] =	stream.indirect.scatter.add.f32 [tilespmem:s20], [sflag:$0x3], $0x80, s2, s23, $0xb8;
	[tilespmem:$0x1E800] =	vst v63  }
0xa6: {  	_ =	swait.ge [sflag:s21], $0x4000  }
0xa7: {  	[sflag:s21] =	ssyncset.done $0x0  }
0xa8: {  	s2 =	sadd.s32 $0x100, s0;
	[sflag:s21] =	ssyncadd.s32 $0xFFFFC000  }
0xa9: {  	[tilespmem:s20], [sflag:$0x1] =	stream.indirect.gather [hbm4b:s4+s23], $0x80, s2, s23, $0xb8;
	[tilespmem:$0x1E800] =	vst v63  }
0xaa: {  	_ =	swait.ge [sflag:s26], $0x4000  }
.Ltmp2:
0xab: {  	[sflag:s26] =	ssyncset.done $0x0;
	(pc) =	sbr.rel @p0 .LBB2_6-.Ltmp2, $4  }
0xac: {  	s0 =	sadd.s32 $0x1480, s0;
	[sflag:s26] =	ssyncadd.s32 $0xFFFFC000  }
0xad: {  	[spmem:s1] =	stream.indirect.scatter.add.f32 [tilespmem:s24], [sflag:$0x3], $0x80, s0, s23, $0xb8;
	[tilespmem:$0x1E800] =	vst v63  }
0xae: {  	_ =	swait.ge [sflag:s21], $0x4000  }
0xaf: {  	s3 =	smov.u32 s11;
	s0 =	sshra.s32 s10, $0x2;
	[sflag:s21] =	ssyncset.done $0x0  }
0xb0: {  	s2 =	sadd.s32 $0x80, s0;
	[sflag:s21] =	ssyncadd.s32 $0xFFFFC000  }
0xb1: {  	[tilespmem:s24], [sflag:$0x2] =	stream.indirect.gather [hbm4b:s4+s23], $0x80, s2, s23, $0xb8;
	[tilespmem:$0x1E800] =	vst v63  }
0xb2: {  	_ =	swait.ge [sflag:s25], $0x4000  }
0xb3: {  	[sflag:s25] =	ssyncset.done $0x0  }
0xb4: {  	s10 =	sadd.s32 $0x1400, s0;
	[sflag:s25] =	ssyncadd.s32 $0xFFFFC000  }
0xb5: {  	[spmem:s1] =	stream.indirect.scatter.add.f32 [tilespmem:s20], [sflag:$0x3], $0x80, s10, s23, $0xb8;
	[tilespmem:$0x1E800] =	vst v63  }
0xb6: {  	_ =	swait.ge [sflag:s21], $0x4000  }
0xb7: {  	[sflag:s21] =	ssyncset.done $0x0  }
0xb8: {  	s11 =	sadd.s32 $0x100, s0;
	[sflag:s21] =	ssyncadd.s32 $0xFFFFC000  }
0xb9: {  	[tilespmem:s20], [sflag:$0x1] =	stream.indirect.gather [hbm4b:s4+s23], $0x80, s11, s23, $0xb8;
	[tilespmem:$0x1E800] =	vst v63  }
0xba: {  	_ =	swait.ge [sflag:s26], $0x4000  }
0xbb: {  	[sflag:s26] =	ssyncset.done $0x0  }
0xbc: {  	s2 =	sadd.s32 $0x1480, s0;
	[sflag:s26] =	ssyncadd.s32 $0xFFFFC000  }
0xbd: {  	[spmem:s1] =	stream.indirect.scatter.add.f32 [tilespmem:s24], [sflag:$0x3], $0x80, s2, s23, $0xb8;
	[tilespmem:$0x1E800] =	vst v63  }
0xbe: {  	_ =	swait.ge [sflag:s21], $0x4000  }
0xbf: {  	[sflag:s21] =	ssyncset.done $0x0  }
0xc0: {  	[sflag:s21] =	ssyncadd.s32 $0xFFFFC000  }
0xc1: {  	[tilespmem:s24], [sflag:$0x2] =	stream.indirect.gather [hbm4b:s4+s23], $0x80, s28, s23, $0xb8;
	[tilespmem:$0x1E800] =	vst v63  }
0xc2: {  	_ =	swait.ge [sflag:s25], $0x4000  }
0xc3: {  	[sflag:s25] =	ssyncset.done $0x0  }
0xc4: {  	[sflag:s25] =	ssyncadd.s32 $0xFFFFC000  }
0xc5: {  	[spmem:s1] =	stream.indirect.scatter.add.f32 [tilespmem:s20], [sflag:$0x3], $0x80, s29, s23, $0xb8;
	[tilespmem:$0x1E800] =	vst v63  }
0xc6: {  	_ =	swait.ge [sflag:s21], $0x4000  }
0xc7: {  	[sflag:s21] =	ssyncset.done $0x0  }
0xc8: {  	[sflag:s21] =	ssyncadd.s32 $0xFFFFC000  }
0xc9: {  	_ =	swait.ge [sflag:s26], $0x4000  }
0xca: {  	[sflag:s26] =	ssyncset.done $0x0  }
0xcb: {  	[sflag:s26] =	ssyncadd.s32 $0xFFFFC000  }
0xcc: {  	[spmem:s1] =	stream.indirect.scatter.add.f32 [tilespmem:s24], [sflag:$0x3], $0x80, s30, s23, $0xb8;
	[tilespmem:$0x1E800] =	vst v63  }
0xcd: {  	_ =	swait.ge [sflag:s21], $0x4000  }
0xce: {  	s3 =	stileid.u32;
	[sflag:s21] =	ssyncset.done $0x0  }
0xcf: {  	s0 =	sshll.u32 s3, $0x6;
	[sflag:s21] =	ssyncadd.s32 $0xFFFFC000  }
0xd0: {  	s0 =	sor.u32 $0x1C03, s0;
	s10 =	sshrl.u32 s5, $0x3;
	[bflag:$0x0] =	sbarrier.arrive $0xFFFF  }
0xd1: {  	[hbm:s14], [sflag:s0] =	dma.local [spmem:s10], $0x800  }
0xd2: {  	_ =	swait.ge [sflag:s21], $0x800  }
0xd3: {  	[sflag:s21] =	ssyncset.done $0x0  }
0xd4: {  	s11 =	sshrl.u32 s6, $0x3;
	[sflag:s21] =	ssyncadd.s32 $0xFFFFF800  }
0xd5: {  	[hbm:s15], [sflag:s0] =	dma.local [spmem:s11], $0x800  }
0xd6: {  	_ =	swait.ge [sflag:s21], $0x800  }
0xd7: {  	[sflag:s21] =	ssyncset.done $0x0  }
0xd8: {  	s3 =	sshrl.u32 s7, $0x3;
	[sflag:s21] =	ssyncadd.s32 $0xFFFFF800  }
0xd9: {  	[hbm:s16], [sflag:s0] =	dma.local [spmem:s3], $0x800  }
0xda: {  	_ =	swait.ge [sflag:s21], $0x800  }
0xdb: {  	[sflag:s21] =	ssyncset.done $0x0  }
0xdc: {  	s10 =	sshrl.u32 s8, $0x3;
	[sflag:s21] =	ssyncadd.s32 $0xFFFFF800  }
0xdd: {  	[hbm:s17], [sflag:s0] =	dma.local [spmem:s10], $0x800  }
0xde: {  	s31 =	sadd.s32 $0x1, s31;
	_ =	swait.ge [sflag:s21], $0x800  }
0xdf: {  	p0 =	sne.s32 s31, s19;
	[sflag:s21] =	ssyncset.done $0x0  }
.Ltmp3:
0xe0: {  	s11 =	sshrl.u32 s9, $0x3;
	[sflag:s21] =	ssyncadd.s32 $0xFFFFF800;
	(pc) =	sbr.rel @p0 .LBB2_1-.Ltmp3, $4  }
0xe1: {  	[hbm:s18], [sflag:s0] =	dma.local [spmem:s11], $0x800  }
0xe2: {  	_ =	swait.ge [sflag:s21], $0x800  }
0xe3: {  	[sflag:s21] =	ssyncset.done $0x0  }
0xe4: {  	[sflag:s21] =	ssyncadd.s32 $0xFFFFF800  }
0xe5: {  	_ =	sfence.sel $0x180000  }
0xe6: {  	[bflag:$0x0] =	sbarrier.arrive $0xFFFF  }
0xe7: {  	_ =	strace $0x9000004A  }
0xe8: {  	s0 =	stileid.u32;
	[bflag:$0x2] =	sbarrier.arrive $0xFFFF  }
0xe9: {  	p0 =	sne.s32 s0, $0x0;
	s0 =	rddreg [dreg:$0x3]  }
0xea: {  	s0 =	sadd.s32 @!p0 $0x100000, s0  }
0xeb: {  	[sflag:s0] =	ssyncadd.tile.s32 @!p0 $0x1;
	_ =	shalt  }
.Lfunc_end2:
_tile_overlayer_lowered:
.L_overlay_start_2:
0xec: {  	(tag) =	ssettag $0x2  }
0xed: {  	s0 =	rddreg [dreg:$0x0];
	s2 =	stileid.u32  }
0xee: {  	s1 =	rddreg [dreg:$0x1];
	p0 =	sne.s32 s2, $0x0  }
0xef: {  	s3 =	rddreg [dreg:$0x2];
	[bflag:$0x3] =	sbarrier.arrive $0xFFFF;
	s2 =	simm.s32 @!p0 $0x1C03  }
0xf0: {  	[timem:s3], [sflag:s2] =	dma.local @!p0 [hbm:s0], s1  }
0xf1: {  	s0 =	simm.s32 @!p0 $0x3  }
0xf2: {  	_ =	swait.ge @!p0 [sflag:s0], s1  }
0xf3: {  	s1 =	ssub.s32 @!p0 $0x0, s1;
	[sflag:s0] =	ssyncset.done @!p0 $0x0  }
0xf4: {  	[sflag:s0] =	ssyncadd.s32 @!p0 s1  }
0xf5: {  	[bflag:$0x3] =	sbarrier.arrive $0xFFFF  }
0xf6: {  	_ =	shalt  }

</sc_bundles>
